<compile_context>
chip_gen: v7x
topology: tpu7x:2x2x1
jax: 0.10.2.dev20260603
libtpu: 0.0.44.dev20260713+nightly
codegen_flags: <defaults>
</compile_context>

<pallas_src>
import functools

import jax
import jax.numpy as jnp
from jax import lax
from jax.experimental import pallas as pl
from jax.experimental.pallas import tpu as pltpu
from jax.experimental.pallas import tpu_sc as plsc

T = 2048
H = 1024
E = 8
I = 512
K = 2
B = 256
R = T * K
NB = R // B + E - 1
NBB = NB * B

NC, NS = 2, 16
NW = NC * NS
_ROWS_PER_W = R // NW
_CH = 64



def _router_body(x_ref, gw_ref, pos_ref, wtf_ref, be_ref):
    x = x_ref[...]
    logits = lax.dot_general(x, gw_ref[...], (((1,), (1,)), ((), ())),
                             preferred_element_type=jnp.float32)
    col = lax.broadcasted_iota(jnp.int32, (T, E), 1)
    m1 = jnp.max(logits, axis=1, keepdims=True)
    a1 = jnp.min(jnp.where(logits == m1, col, E), axis=1, keepdims=True)
    masked = jnp.where(col == a1, -jnp.float32(3.0e38), logits)
    m2 = jnp.max(masked, axis=1, keepdims=True)
    a2 = jnp.min(jnp.where(masked == m2, col, E), axis=1, keepdims=True)
    wa = jax.nn.sigmoid(m1 - m2)
    wb = 1.0 - wa

    oh1 = (col == a1).astype(jnp.float32)
    oh2 = (col == a2).astype(jnp.float32)
    M = jnp.concatenate([oh1, oh2], axis=0)

    S = M
    d = 1
    while d < R:
        shifted = jnp.concatenate(
            [jnp.zeros((d, E), jnp.float32), S[: R - d, :]], axis=0)
        S = S + shifted
        d *= 2

    rank = jnp.sum(M * S, axis=1, keepdims=True) - 1.0
    counts = S[R - 1: R, :]
    nb = (counts.astype(jnp.int32) + (B - 1)) // B
    r_i = lax.broadcasted_iota(jnp.int32, (E, E), 0)
    c_i = lax.broadcasted_iota(jnp.int32, (E, E), 1)
    tri8 = (r_i <= c_i).astype(jnp.float32)
    cumnb = lax.dot_general(nb.astype(jnp.float32), tri8,
                            (((1,), (0,)), ((), ())),
                            preferred_element_type=jnp.float32)
    poff = (B * (cumnb - nb.astype(jnp.float32)))
    posf = jnp.sum(M * poff, axis=1, keepdims=True) + rank
    pos_ref[...] = posf.astype(jnp.int32)
    wtf_ref[...] = jnp.concatenate([wa, wb], axis=0)

    eye8 = (r_i == c_i).astype(jnp.float32)
    cumnb_col = lax.dot_general(eye8, cumnb, (((1,), (1,)), ((), ())),
                                preferred_element_type=jnp.float32)
    bi = lax.broadcasted_iota(jnp.int32, (E, 128), 1)
    s2 = (bi.astype(jnp.float32) >= cumnb_col).astype(jnp.float32)
    ber = lax.dot_general(jnp.ones((1, E), jnp.float32), s2,
                          (((1,), (0,)), ((), ())),
                          preferred_element_type=jnp.float32)
    be_ref[...] = jnp.minimum(ber, E - 1).astype(jnp.int32)


def _router_call(hidden, gate_weight):
    return pl.pallas_call(
        _router_body,
        in_specs=[
            pl.BlockSpec((T, H), lambda: (0, 0)),
            pl.BlockSpec((E, H), lambda: (0, 0)),
        ],
        out_specs=[
            pl.BlockSpec((R, 1), lambda: (0, 0)),
            pl.BlockSpec((R, 1), lambda: (0, 0)),
            pl.BlockSpec((1, 128), lambda: (0, 0)),
        ],
        out_shape=[
            jax.ShapeDtypeStruct((R, 1), jnp.int32),
            jax.ShapeDtypeStruct((R, 1), jnp.float32),
            jax.ShapeDtypeStruct((1, 128), jnp.int32),
        ],
    )(hidden, gate_weight)



@functools.cache
def _make_scatter():
    mesh = plsc.VectorSubcoreMesh(core_axis_name="c", subcore_axis_name="s",
                                  num_cores=NC, num_subcores=NS)

    @functools.partial(
        pl.kernel, mesh=mesh,
        out_type=jax.ShapeDtypeStruct((NBB, H), jnp.float32),
        scratch_types=[
            pltpu.VMEM((_CH,), jnp.int32),
            pltpu.VMEM((_CH,), jnp.int32),
            pltpu.VMEM((_CH, H), jnp.float32),
            pltpu.SemaphoreType.DMA,
        ],
    )
    def scatter_k(hidden_hbm, pos_hbm, xs_hbm, idx0, idx1, rows, sem):
        wid = lax.axis_index("s") * NC + lax.axis_index("c")
        r0 = wid * _ROWS_PER_W
        idx_bufs = (idx0, idx1)
        for chunk in range(_ROWS_PER_W // _CH):
            rbase = r0 + chunk * _CH
            tbase = lax.rem(rbase, T)
            idx = idx_bufs[chunk]
            pltpu.sync_copy(pos_hbm.at[pl.ds(rbase, _CH)], idx)
            pltpu.sync_copy(hidden_hbm.at[pl.ds(tbase, _CH)], rows)
            pltpu.async_copy(rows, xs_hbm.at[idx], sem).wait()

    return scatter_k



def _ffn_body(be_ref, x_ref, w13_ref, w2_ref, y_ref):
    x = x_ref[...]
    h = lax.dot_general(x, w13_ref[0], (((1,), (1,)), ((), ())),
                        preferred_element_type=jnp.float32)
    gate = h[:, :I]
    up = h[:, I:]
    act = gate * jax.nn.sigmoid(gate) * up
    y_ref[...] = lax.dot_general(act, w2_ref[0], (((1,), (1,)), ((), ())),
                                 preferred_element_type=jnp.float32)


def _ffn_call(be, x_sorted, w13, w2):
    grid_spec = pltpu.PrefetchScalarGridSpec(
        num_scalar_prefetch=1,
        grid=(NB,),
        in_specs=[
            pl.BlockSpec((B, H), lambda b, be_ref: (b, 0)),
            pl.BlockSpec((1, 2 * I, H), lambda b, be_ref: (be_ref[b], 0, 0)),
            pl.BlockSpec((1, H, I), lambda b, be_ref: (be_ref[b], 0, 0)),
        ],
        out_specs=pl.BlockSpec((B, H), lambda b, be_ref: (b, 0)),
    )
    return pl.pallas_call(
        _ffn_body,
        grid_spec=grid_spec,
        out_shape=jax.ShapeDtypeStruct((NBB, H), jnp.float32),
    )(be, x_sorted, w13, w2)



_TOK_PER_W = T // NW
_TCH = 16
_NCH = _TOK_PER_W // _TCH
_RING = 2


@functools.cache
def _make_combine():
    mesh = plsc.VectorSubcoreMesh(core_axis_name="c", subcore_axis_name="s",
                                  num_cores=NC, num_subcores=NS)

    @functools.partial(
        pl.kernel, mesh=mesh,
        out_type=jax.ShapeDtypeStruct((T, H), jnp.float32),
        scratch_types=(
            [pltpu.VMEM((_TOK_PER_W,), jnp.int32) for _ in range(2)]
            + [pltpu.VMEM((_TOK_PER_W,), jnp.float32) for _ in range(2)]
            + [pltpu.VMEM((_TCH, H), jnp.float32) for _ in range(2 * _RING)]
            + [pltpu.VMEM((_TCH, H), jnp.float32) for _ in range(_RING)]
            + [pltpu.SemaphoreType.DMA for _ in range(2 * _RING + _RING)]
        ),
    )
    def combine_k(y_hbm, pos_hbm, wtf_hbm, out_hbm,
                  pos0, pos1, w0v, w1v,
                  r00, r10, r01, r11, ob0, ob1,
                  sg00, sg10, sg01, sg11, sw0, sw1):
        rows = ((r00, r10), (r01, r11))
        outb = (ob0, ob1)
        gsem = ((sg00, sg10), (sg01, sg11))
        wsem = (sw0, sw1)

        wid = lax.axis_index("s") * NC + lax.axis_index("c")
        tb = wid * _TOK_PER_W
        pltpu.sync_copy(wtf_hbm.at[pl.ds(tb, _TOK_PER_W)], w0v)
        pltpu.sync_copy(wtf_hbm.at[pl.ds(T + tb, _TOK_PER_W)], w1v)
        pltpu.sync_copy(pos_hbm.at[pl.ds(tb, _TOK_PER_W)], pos0)
        pltpu.sync_copy(pos_hbm.at[pl.ds(T + tb, _TOK_PER_W)], pos1)

        def issue(c, slot):
            idx0 = pos0[pl.ds(c * _TCH, _TCH)]
            idx1 = pos1[pl.ds(c * _TCH, _TCH)]
            g0 = pltpu.async_copy(y_hbm.at[idx0], rows[slot][0],
                                  gsem[slot][0])
            g1 = pltpu.async_copy(y_hbm.at[idx1], rows[slot][1],
                                  gsem[slot][1])
            return (g0, g1)

        gathers = [None] * _NCH
        writes = [None] * _NCH
        gathers[0] = issue(0, 0)
        for c in range(_NCH):
            slot = c % _RING
            if c + 1 < _NCH:
                gathers[c + 1] = issue(c + 1, (c + 1) % _RING)
            gathers[c][0].wait()
            gathers[c][1].wait()
            if c >= _RING:
                writes[c - _RING].wait()
            w0g = w0v[pl.ds(c * _TCH, 16)]
            w1g = w1v[pl.ds(c * _TCH, 16)]
            r0, r1, ob = rows[slot][0], rows[slot][1], outb[slot]

            def tok_body(j, _):
                jv = jnp.full((16,), j, jnp.int32)
                w0 = w0g.at[jv].get(mode="promise_in_bounds")
                w1 = w1g.at[jv].get(mode="promise_in_bounds")

                def col_body(cc, _):
                    sl = pl.ds(cc * 16, 16)
                    ob[j, sl] = w0 * r0[j, sl] + w1 * r1[j, sl]
                    return 0

                return lax.fori_loop(0, H // 16, col_body, 0, unroll=4)

            lax.fori_loop(0, _TCH, tok_body, 0)
            writes[c] = pltpu.async_copy(
                ob, out_hbm.at[pl.ds(tb + c * _TCH, _TCH)], wsem[slot])
        for c in range(_NCH - _RING, _NCH):
            writes[c].wait()

    return combine_k



def kernel(hidden_states, gate_weight, w13, w2):
    pos, wtf, be = _router_call(hidden_states, gate_weight)
    pos_flat = pos.reshape(R)
    wtf_flat = wtf.reshape(R)
    be_nb = be.reshape(128)[:NB]
    x_sorted = _make_scatter()(hidden_states, pos_flat)
    y = _ffn_call(be_nb, x_sorted, w13, w2)
    return _make_combine()(y, pos_flat, wtf_flat)

# --- scband reference (transcript-rebuilt; emitter-appended) ---
"""Pipeline reference for scband-fused-mo-e-76974403879011 (READ-ONLY COPY).

The authoritative reference and input builder live on the scoring server;
editing this copy changes nothing except your own understanding.
"""

import jax, jax.numpy as jnp
import numpy as np


def setup_inputs(seed: int = 0) -> dict:
    key = jax.random.key(seed)
    k1, k2, k3, k4 = jax.random.split(key, 4)
    hidden_states = jax.random.normal(k1, (2048, 1024), dtype=jnp.float32)
    # gate (router) linear: ReplicatedLinear(hidden_size, num_experts, bias=False)
    gate_weight = jax.random.normal(k2, (8, 1024), dtype=jnp.float32) * 0.02
    # w13: [num_experts, 2*intermediate_size, hidden_size]
    w13 = jax.random.normal(k3, (8, 2 * 512, 1024), dtype=jnp.float32) * 0.02
    # w2: [num_experts, hidden_size, intermediate_size]
    w2 = jax.random.normal(k4, (8, 1024, 512), dtype=jnp.float32) * 0.02
    return {"hidden_states": hidden_states, "gate_weight": gate_weight, "w13": w13, "w2": w2}


def reference(hidden_states, gate_weight, w13, w2):
    T, H = hidden_states.shape
    E = gate_weight.shape[0]
    I = w2.shape[2]
    K = 2  # top_k
    # router: softmax scoring, top-k selection, renormalize (norm_topk_prob=True)
    router_logits = hidden_states @ gate_weight.T  # [T, E]
    probs = jax.nn.softmax(router_logits, axis=-1)
    topk_vals, topk_idx = jax.lax.top_k(probs, K)  # [T, K]
    topk_vals = topk_vals / jnp.sum(topk_vals, axis=-1, keepdims=True)
    # combine weights [T, E] via scatter-add of top-k probabilities
    combine = jnp.zeros((T, E), dtype=hidden_states.dtype).at[
        jnp.arange(T)[:, None], topk_idx
    ].add(topk_vals)
    # fused experts: gate/up proj -> silu gating -> down proj (dense dispatch reference)
    h = jnp.einsum('th,eih->tei', hidden_states, w13)  # [T, E, 2I]
    gate_h = h[:, :, :I]
    up_h = h[:, :, I:]
    act = jax.nn.silu(gate_h) * up_h  # [T, E, I]
    expert_out = jnp.einsum('tei,ehi->teh', act, w2)  # [T, E, H]
    out = jnp.einsum('te,teh->th', combine, expert_out)  # [T, H]
    return out

if __name__ == "__main__":
    import jax
    _d = setup_inputs()
    print(jax.jit(kernel)(*tuple(_d.values())))

</pallas_src>

<mosaic_0001>
#map = affine_map<(d0, d1) -> (0, 0)>
#map1 = affine_map<(d0, d1) -> (0)>
module attributes {stable_mosaic.version = 14 : i64} {
  func.func @scatter_k(%arg0: i32, %arg1: i32, %arg2: memref<2048x1024xf32, #tpu.memory_space<hbm>>, %arg3: memref<4096xi32, #tpu.memory_space<hbm>>, %arg4: memref<5888x1024xf32, #tpu.memory_space<hbm>>, %arg5: memref<64xi32, #tpu.memory_space<vmem>>, %arg6: memref<64xi32, #tpu.memory_space<vmem>>, %arg7: memref<64x1024xf32, #tpu.memory_space<vmem>>, %arg8: memref<!tpu.dma_semaphore, #tpu.memory_space<semaphore_mem>>) attributes {dimension_semantics = [#tpu.dimension_semantics<core_parallel>, #tpu.dimension_semantics<subcore_parallel>], iteration_bounds = array<i64: 2, 16>, scalar_prefetch = 0 : i64, scratch_operands = 4 : i64, tpu.core_type = #tpu.core_type<sc_vector_subcore>, window_params = [{transform_indices = #map}, {transform_indices = #map1}, {transform_indices = #map}]} {
    %mul3A = arith.constant 2 : i32
    %mul3A_0 = arith.muli %arg1, %mul3A : i32
    %add3A = arith.addi %mul3A_0, %arg0 : i32
    %mul3A_1 = arith.constant 128 : i32
    %mul3A_2 = arith.muli %add3A, %mul3A_1 : i32
    %add3A_3 = arith.constant 0 : i32
    %add3A_4 = arith.addi %mul3A_2, %add3A_3 : i32
    %rem3A = arith.constant 2048 : i32
    %rem3A_5 = arith.remsi %add3A_4, %rem3A : i32
    "tpu.region"() ({
      %run_scoped3A = tpu.sem_alloc : memref<!tpu.dma_semaphore, #tpu.memory_space<semaphore_mem>>
      %dma_start3A_20 = tpu.memref_slice %arg3[%add3A_4] : memref<4096xi32, #tpu.memory_space<hbm>> -> memref<64xi32, #tpu.memory_space<hbm>>
      %dma_start3A_21 = tpu.memref_slice %arg3[%add3A_4] : memref<4096xi32, #tpu.memory_space<hbm>> -> memref<64xi32, #tpu.memory_space<hbm>>
      tpu.enqueue_dma source(%dma_start3A_21 : memref<64xi32, #tpu.memory_space<hbm>>) target(%arg5 : memref<64xi32, #tpu.memory_space<vmem>>) target_semaphore(%run_scoped3A : memref<!tpu.dma_semaphore, #tpu.memory_space<semaphore_mem>>)
      %dma_wait3A_22 = tpu.memref_slice %arg3[%add3A_4] : memref<4096xi32, #tpu.memory_space<hbm>> -> memref<64xi32, #tpu.memory_space<hbm>>
      %dma_wait3A_23 = tpu.memref_slice %arg3[%add3A_4] : memref<4096xi32, #tpu.memory_space<hbm>> -> memref<64xi32, #tpu.memory_space<hbm>>
      tpu.wait_dma2 semaphore(%run_scoped3A : memref<!tpu.dma_semaphore, #tpu.memory_space<semaphore_mem>>) src(%dma_wait3A_23 : memref<64xi32, #tpu.memory_space<hbm>>) dst(%arg5 : memref<64xi32, #tpu.memory_space<vmem>>)
      tpu.yield
    }) : () -> ()
    "tpu.region"() ({
      %run_scoped3A = tpu.sem_alloc : memref<!tpu.dma_semaphore, #tpu.memory_space<semaphore_mem>>
      %dma_start3A_20 = arith.constant 0 : i32
      %dma_start3A_21 = tpu.memref_slice %arg2[%rem3A_5, %dma_start3A_20] : memref<2048x1024xf32, #tpu.memory_space<hbm>> -> memref<64x1024xf32, #tpu.memory_space<hbm>>
      %dma_start3A_22 = arith.constant 0 : i32
      %dma_start3A_23 = tpu.memref_slice %arg2[%rem3A_5, %dma_start3A_22] : memref<2048x1024xf32, #tpu.memory_space<hbm>> -> memref<64x1024xf32, #tpu.memory_space<hbm>>
      tpu.enqueue_dma source(%dma_start3A_23 : memref<64x1024xf32, #tpu.memory_space<hbm>>) target(%arg7 : memref<64x1024xf32, #tpu.memory_space<vmem>>) target_semaphore(%run_scoped3A : memref<!tpu.dma_semaphore, #tpu.memory_space<semaphore_mem>>)
      %dma_wait3A_24 = arith.constant 0 : i32
      %dma_wait3A_25 = tpu.memref_slice %arg2[%rem3A_5, %dma_wait3A_24] : memref<2048x1024xf32, #tpu.memory_space<hbm>> -> memref<64x1024xf32, #tpu.memory_space<hbm>>
      %dma_wait3A_26 = arith.constant 0 : i32
      %dma_wait3A_27 = tpu.memref_slice %arg2[%rem3A_5, %dma_wait3A_26] : memref<2048x1024xf32, #tpu.memory_space<hbm>> -> memref<64x1024xf32, #tpu.memory_space<hbm>>
      tpu.wait_dma2 semaphore(%run_scoped3A : memref<!tpu.dma_semaphore, #tpu.memory_space<semaphore_mem>>) src(%dma_wait3A_27 : memref<64x1024xf32, #tpu.memory_space<hbm>>) dst(%arg7 : memref<64x1024xf32, #tpu.memory_space<vmem>>)
      tpu.yield
    }) : () -> ()
    %dma_start3A = arith.constant 0 : i32
    %dma_start3A_6 = arith.constant 0 : i32
    %dma_start3A_7 = tpu.memref_slice %arg4[%dma_start3A, %dma_start3A_6] : memref<5888x1024xf32, #tpu.memory_space<hbm>> -> memref<5888x1024xf32, #tpu.memory_space<hbm>>
    tpu.enqueue_indirect_dma source(%arg7 : memref<64x1024xf32, #tpu.memory_space<vmem>>) target(%dma_start3A_7 : memref<5888x1024xf32, #tpu.memory_space<hbm>>) offsets(%arg5 : memref<64xi32, #tpu.memory_space<vmem>>) semaphore(%arg8 : memref<!tpu.dma_semaphore, #tpu.memory_space<semaphore_mem>>)
    %dma_wait3A = arith.constant 0 : i32
    %dma_wait3A_8 = arith.constant 0 : i32
    %dma_wait3A_9 = tpu.memref_slice %arg4[%dma_wait3A, %dma_wait3A_8] : memref<5888x1024xf32, #tpu.memory_space<hbm>> -> memref<5888x1024xf32, #tpu.memory_space<hbm>>
    tpu.wait_indirect_dma semaphore(%arg8 : memref<!tpu.dma_semaphore, #tpu.memory_space<semaphore_mem>>) src(%arg7 : memref<64x1024xf32, #tpu.memory_space<vmem>>) dst(%dma_wait3A_9 : memref<5888x1024xf32, #tpu.memory_space<hbm>>)
    %add3A_10 = arith.constant 64 : i32
    %add3A_11 = arith.addi %mul3A_2, %add3A_10 : i32
    %rem3A_12 = arith.constant 2048 : i32
    %rem3A_13 = arith.remsi %add3A_11, %rem3A_12 : i32
    "tpu.region"() ({
      %run_scoped3A = tpu.sem_alloc : memref<!tpu.dma_semaphore, #tpu.memory_space<semaphore_mem>>
      %dma_start3A_20 = tpu.memref_slice %arg3[%add3A_11] : memref<4096xi32, #tpu.memory_space<hbm>> -> memref<64xi32, #tpu.memory_space<hbm>>
      %dma_start3A_21 = tpu.memref_slice %arg3[%add3A_11] : memref<4096xi32, #tpu.memory_space<hbm>> -> memref<64xi32, #tpu.memory_space<hbm>>
      tpu.enqueue_dma source(%dma_start3A_21 : memref<64xi32, #tpu.memory_space<hbm>>) target(%arg6 : memref<64xi32, #tpu.memory_space<vmem>>) target_semaphore(%run_scoped3A : memref<!tpu.dma_semaphore, #tpu.memory_space<semaphore_mem>>)
      %dma_wait3A_22 = tpu.memref_slice %arg3[%add3A_11] : memref<4096xi32, #tpu.memory_space<hbm>> -> memref<64xi32, #tpu.memory_space<hbm>>
      %dma_wait3A_23 = tpu.memref_slice %arg3[%add3A_11] : memref<4096xi32, #tpu.memory_space<hbm>> -> memref<64xi32, #tpu.memory_space<hbm>>
      tpu.wait_dma2 semaphore(%run_scoped3A : memref<!tpu.dma_semaphore, #tpu.memory_space<semaphore_mem>>) src(%dma_wait3A_23 : memref<64xi32, #tpu.memory_space<hbm>>) dst(%arg6 : memref<64xi32, #tpu.memory_space<vmem>>)
      tpu.yield
    }) : () -> ()
    "tpu.region"() ({
      %run_scoped3A = tpu.sem_alloc : memref<!tpu.dma_semaphore, #tpu.memory_space<semaphore_mem>>
      %dma_start3A_20 = arith.constant 0 : i32
      %dma_start3A_21 = tpu.memref_slice %arg2[%rem3A_13, %dma_start3A_20] : memref<2048x1024xf32, #tpu.memory_space<hbm>> -> memref<64x1024xf32, #tpu.memory_space<hbm>>
      %dma_start3A_22 = arith.constant 0 : i32
      %dma_start3A_23 = tpu.memref_slice %arg2[%rem3A_13, %dma_start3A_22] : memref<2048x1024xf32, #tpu.memory_space<hbm>> -> memref<64x1024xf32, #tpu.memory_space<hbm>>
      tpu.enqueue_dma source(%dma_start3A_23 : memref<64x1024xf32, #tpu.memory_space<hbm>>) target(%arg7 : memref<64x1024xf32, #tpu.memory_space<vmem>>) target_semaphore(%run_scoped3A : memref<!tpu.dma_semaphore, #tpu.memory_space<semaphore_mem>>)
      %dma_wait3A_24 = arith.constant 0 : i32
      %dma_wait3A_25 = tpu.memref_slice %arg2[%rem3A_13, %dma_wait3A_24] : memref<2048x1024xf32, #tpu.memory_space<hbm>> -> memref<64x1024xf32, #tpu.memory_space<hbm>>
      %dma_wait3A_26 = arith.constant 0 : i32
      %dma_wait3A_27 = tpu.memref_slice %arg2[%rem3A_13, %dma_wait3A_26] : memref<2048x1024xf32, #tpu.memory_space<hbm>> -> memref<64x1024xf32, #tpu.memory_space<hbm>>
      tpu.wait_dma2 semaphore(%run_scoped3A : memref<!tpu.dma_semaphore, #tpu.memory_space<semaphore_mem>>) src(%dma_wait3A_27 : memref<64x1024xf32, #tpu.memory_space<hbm>>) dst(%arg7 : memref<64x1024xf32, #tpu.memory_space<vmem>>)
      tpu.yield
    }) : () -> ()
    %dma_start3A_14 = arith.constant 0 : i32
    %dma_start3A_15 = arith.constant 0 : i32
    %dma_start3A_16 = tpu.memref_slice %arg4[%dma_start3A_14, %dma_start3A_15] : memref<5888x1024xf32, #tpu.memory_space<hbm>> -> memref<5888x1024xf32, #tpu.memory_space<hbm>>
    tpu.enqueue_indirect_dma source(%arg7 : memref<64x1024xf32, #tpu.memory_space<vmem>>) target(%dma_start3A_16 : memref<5888x1024xf32, #tpu.memory_space<hbm>>) offsets(%arg6 : memref<64xi32, #tpu.memory_space<vmem>>) semaphore(%arg8 : memref<!tpu.dma_semaphore, #tpu.memory_space<semaphore_mem>>)
    %dma_wait3A_17 = arith.constant 0 : i32
    %dma_wait3A_18 = arith.constant 0 : i32
    %dma_wait3A_19 = tpu.memref_slice %arg4[%dma_wait3A_17, %dma_wait3A_18] : memref<5888x1024xf32, #tpu.memory_space<hbm>> -> memref<5888x1024xf32, #tpu.memory_space<hbm>>
    tpu.wait_indirect_dma semaphore(%arg8 : memref<!tpu.dma_semaphore, #tpu.memory_space<semaphore_mem>>) src(%arg7 : memref<64x1024xf32, #tpu.memory_space<vmem>>) dst(%dma_wait3A_19 : memref<5888x1024xf32, #tpu.memory_space<hbm>>)
    return
  }
}

#map = affine_map<(d0, d1) -> (0, 0)>
#map1 = affine_map<(d0, d1) -> (0)>
module attributes {stable_mosaic.version = 14 : i64} {
  func.func @combine_k(%arg0: i32, %arg1: i32, %arg2: memref<5888x1024xf32, #tpu.memory_space<hbm>>, %arg3: memref<4096xi32, #tpu.memory_space<hbm>>, %arg4: memref<4096xf32, #tpu.memory_space<hbm>>, %arg5: memref<2048x1024xf32, #tpu.memory_space<hbm>>, %arg6: memref<64xi32, #tpu.memory_space<vmem>>, %arg7: memref<64xi32, #tpu.memory_space<vmem>>, %arg8: memref<64xf32, #tpu.memory_space<vmem>>, %arg9: memref<64xf32, #tpu.memory_space<vmem>>, %arg10: memref<16x1024xf32, #tpu.memory_space<vmem>>, %arg11: memref<16x1024xf32, #tpu.memory_space<vmem>>, %arg12: memref<16x1024xf32, #tpu.memory_space<vmem>>, %arg13: memref<16x1024xf32, #tpu.memory_space<vmem>>, %arg14: memref<16x1024xf32, #tpu.memory_space<vmem>>, %arg15: memref<16x1024xf32, #tpu.memory_space<vmem>>, %arg16: memref<!tpu.dma_semaphore, #tpu.memory_space<semaphore_mem>>, %arg17: memref<!tpu.dma_semaphore, #tpu.memory_space<semaphore_mem>>, %arg18: memref<!tpu.dma_semaphore, #tpu.memory_space<semaphore_mem>>, %arg19: memref<!tpu.dma_semaphore, #tpu.memory_space<semaphore_mem>>, %arg20: memref<!tpu.dma_semaphore, #tpu.memory_space<semaphore_mem>>, %arg21: memref<!tpu.dma_semaphore, #tpu.memory_space<semaphore_mem>>) attributes {dimension_semantics = [#tpu.dimension_semantics<core_parallel>, #tpu.dimension_semantics<subcore_parallel>], iteration_bounds = array<i64: 2, 16>, scalar_prefetch = 0 : i64, scratch_operands = 16 : i64, tpu.core_type = #tpu.core_type<sc_vector_subcore>, window_params = [{transform_indices = #map}, {transform_indices = #map1}, {transform_indices = #map1}, {transform_indices = #map}]} {
    %mul3A = arith.constant 2 : i32
    %mul3A_0 = arith.muli %arg1, %mul3A : i32
    %add3A = arith.addi %mul3A_0, %arg0 : i32
    %mul3A_1 = arith.constant 64 : i32
    %mul3A_2 = arith.muli %add3A, %mul3A_1 : i32
    "tpu.region"() ({
      %run_scoped3A = tpu.sem_alloc : memref<!tpu.dma_semaphore, #tpu.memory_space<semaphore_mem>>
      %dma_start3A_167 = tpu.memref_slice %arg4[%mul3A_2] : memref<4096xf32, #tpu.memory_space<hbm>> -> memref<64xf32, #tpu.memory_space<hbm>>
      %dma_start3A_168 = tpu.memref_slice %arg4[%mul3A_2] : memref<4096xf32, #tpu.memory_space<hbm>> -> memref<64xf32, #tpu.memory_space<hbm>>
      tpu.enqueue_dma source(%dma_start3A_168 : memref<64xf32, #tpu.memory_space<hbm>>) target(%arg8 : memref<64xf32, #tpu.memory_space<vmem>>) target_semaphore(%run_scoped3A : memref<!tpu.dma_semaphore, #tpu.memory_space<semaphore_mem>>)
      %dma_wait3A_169 = tpu.memref_slice %arg4[%mul3A_2] : memref<4096xf32, #tpu.memory_space<hbm>> -> memref<64xf32, #tpu.memory_space<hbm>>
      %dma_wait3A_170 = tpu.memref_slice %arg4[%mul3A_2] : memref<4096xf32, #tpu.memory_space<hbm>> -> memref<64xf32, #tpu.memory_space<hbm>>
      tpu.wait_dma2 semaphore(%run_scoped3A : memref<!tpu.dma_semaphore, #tpu.memory_space<semaphore_mem>>) src(%dma_wait3A_170 : memref<64xf32, #tpu.memory_space<hbm>>) dst(%arg8 : memref<64xf32, #tpu.memory_space<vmem>>)
      tpu.yield
    }) : () -> ()
    %add3A_3 = arith.constant 2048 : i32
    %add3A_4 = arith.addi %add3A_3, %mul3A_2 : i32
    "tpu.region"() ({
      %run_scoped3A = tpu.sem_alloc : memref<!tpu.dma_semaphore, #tpu.memory_space<semaphore_mem>>
      %dma_start3A_167 = tpu.memref_slice %arg4[%add3A_4] : memref<4096xf32, #tpu.memory_space<hbm>> -> memref<64xf32, #tpu.memory_space<hbm>>
      %dma_start3A_168 = tpu.memref_slice %arg4[%add3A_4] : memref<4096xf32, #tpu.memory_space<hbm>> -> memref<64xf32, #tpu.memory_space<hbm>>
      tpu.enqueue_dma source(%dma_start3A_168 : memref<64xf32, #tpu.memory_space<hbm>>) target(%arg9 : memref<64xf32, #tpu.memory_space<vmem>>) target_semaphore(%run_scoped3A : memref<!tpu.dma_semaphore, #tpu.memory_space<semaphore_mem>>)
      %dma_wait3A_169 = tpu.memref_slice %arg4[%add3A_4] : memref<4096xf32, #tpu.memory_space<hbm>> -> memref<64xf32, #tpu.memory_space<hbm>>
      %dma_wait3A_170 = tpu.memref_slice %arg4[%add3A_4] : memref<4096xf32, #tpu.memory_space<hbm>> -> memref<64xf32, #tpu.memory_space<hbm>>
      tpu.wait_dma2 semaphore(%run_scoped3A : memref<!tpu.dma_semaphore, #tpu.memory_space<semaphore_mem>>) src(%dma_wait3A_170 : memref<64xf32, #tpu.memory_space<hbm>>) dst(%arg9 : memref<64xf32, #tpu.memory_space<vmem>>)
      tpu.yield
    }) : () -> ()
    "tpu.region"() ({
      %run_scoped3A = tpu.sem_alloc : memref<!tpu.dma_semaphore, #tpu.memory_space<semaphore_mem>>
      %dma_start3A_167 = tpu.memref_slice %arg3[%mul3A_2] : memref<4096xi32, #tpu.memory_space<hbm>> -> memref<64xi32, #tpu.memory_space<hbm>>
      %dma_start3A_168 = tpu.memref_slice %arg3[%mul3A_2] : memref<4096xi32, #tpu.memory_space<hbm>> -> memref<64xi32, #tpu.memory_space<hbm>>
      tpu.enqueue_dma source(%dma_start3A_168 : memref<64xi32, #tpu.memory_space<hbm>>) target(%arg6 : memref<64xi32, #tpu.memory_space<vmem>>) target_semaphore(%run_scoped3A : memref<!tpu.dma_semaphore, #tpu.memory_space<semaphore_mem>>)
      %dma_wait3A_169 = tpu.memref_slice %arg3[%mul3A_2] : memref<4096xi32, #tpu.memory_space<hbm>> -> memref<64xi32, #tpu.memory_space<hbm>>
      %dma_wait3A_170 = tpu.memref_slice %arg3[%mul3A_2] : memref<4096xi32, #tpu.memory_space<hbm>> -> memref<64xi32, #tpu.memory_space<hbm>>
      tpu.wait_dma2 semaphore(%run_scoped3A : memref<!tpu.dma_semaphore, #tpu.memory_space<semaphore_mem>>) src(%dma_wait3A_170 : memref<64xi32, #tpu.memory_space<hbm>>) dst(%arg6 : memref<64xi32, #tpu.memory_space<vmem>>)
      tpu.yield
    }) : () -> ()
    %add3A_5 = arith.constant 2048 : i32
    %add3A_6 = arith.addi %add3A_5, %mul3A_2 : i32
    "tpu.region"() ({
      %run_scoped3A = tpu.sem_alloc : memref<!tpu.dma_semaphore, #tpu.memory_space<semaphore_mem>>
      %dma_start3A_167 = tpu.memref_slice %arg3[%add3A_6] : memref<4096xi32, #tpu.memory_space<hbm>> -> memref<64xi32, #tpu.memory_space<hbm>>
      %dma_start3A_168 = tpu.memref_slice %arg3[%add3A_6] : memref<4096xi32, #tpu.memory_space<hbm>> -> memref<64xi32, #tpu.memory_space<hbm>>
      tpu.enqueue_dma source(%dma_start3A_168 : memref<64xi32, #tpu.memory_space<hbm>>) target(%arg7 : memref<64xi32, #tpu.memory_space<vmem>>) target_semaphore(%run_scoped3A : memref<!tpu.dma_semaphore, #tpu.memory_space<semaphore_mem>>)
      %dma_wait3A_169 = tpu.memref_slice %arg3[%add3A_6] : memref<4096xi32, #tpu.memory_space<hbm>> -> memref<64xi32, #tpu.memory_space<hbm>>
      %dma_wait3A_170 = tpu.memref_slice %arg3[%add3A_6] : memref<4096xi32, #tpu.memory_space<hbm>> -> memref<64xi32, #tpu.memory_space<hbm>>
      tpu.wait_dma2 semaphore(%run_scoped3A : memref<!tpu.dma_semaphore, #tpu.memory_space<semaphore_mem>>) src(%dma_wait3A_170 : memref<64xi32, #tpu.memory_space<hbm>>) dst(%arg7 : memref<64xi32, #tpu.memory_space<vmem>>)
      tpu.yield
    }) : () -> ()
    %get3A = arith.constant 0 : index
    %get3A_7 = tpu.vector_load %arg6[%get3A] {strides = array<i32>} : memref<64xi32, #tpu.memory_space<vmem>>, vector<16xi32>,
    %get3A_8 = vector.shape_cast %get3A_7 : vector<16xi32> to vector<16xi32>
    %get3A_9 = arith.constant 0 : index
    %get3A_10 = tpu.vector_load %arg7[%get3A_9] {strides = array<i32>} : memref<64xi32, #tpu.memory_space<vmem>>, vector<16xi32>,
    %get3A_11 = vector.shape_cast %get3A_10 : vector<16xi32> to vector<16xi32>
    %dma_start3A = arith.constant 0 : i32
    %dma_start3A_12 = arith.constant 0 : i32
    %dma_start3A_13 = tpu.memref_slice %arg2[%dma_start3A, %dma_start3A_12] : memref<5888x1024xf32, #tpu.memory_space<hbm>> -> memref<5888x1024xf32, #tpu.memory_space<hbm>>
    tpu.enqueue_indirect_dma source(%dma_start3A_13 : memref<5888x1024xf32, #tpu.memory_space<hbm>>) target(%arg10 : memref<16x1024xf32, #tpu.memory_space<vmem>>) offsets(%get3A_8 : vector<16xi32>) semaphore(%arg16 : memref<!tpu.dma_semaphore, #tpu.memory_space<semaphore_mem>>)
    %dma_start3A_14 = arith.constant 0 : i32
    %dma_start3A_15 = arith.constant 0 : i32
    %dma_start3A_16 = tpu.memref_slice %arg2[%dma_start3A_14, %dma_start3A_15] : memref<5888x1024xf32, #tpu.memory_space<hbm>> -> memref<5888x1024xf32, #tpu.memory_space<hbm>>
    tpu.enqueue_indirect_dma source(%dma_start3A_16 : memref<5888x1024xf32, #tpu.memory_space<hbm>>) target(%arg11 : memref<16x1024xf32, #tpu.memory_space<vmem>>) offsets(%get3A_11 : vector<16xi32>) semaphore(%arg17 : memref<!tpu.dma_semaphore, #tpu.memory_space<semaphore_mem>>)
    %get3A_17 = arith.constant 16 : index
    %get3A_18 = tpu.vector_load %arg6[%get3A_17] {strides = array<i32>} : memref<64xi32, #tpu.memory_space<vmem>>, vector<16xi32>,
    %get3A_19 = vector.shape_cast %get3A_18 : vector<16xi32> to vector<16xi32>
    %get3A_20 = arith.constant 16 : index
    %get3A_21 = tpu.vector_load %arg7[%get3A_20] {strides = array<i32>} : memref<64xi32, #tpu.memory_space<vmem>>, vector<16xi32>,
    %get3A_22 = vector.shape_cast %get3A_21 : vector<16xi32> to vector<16xi32>
    %dma_start3A_23 = arith.constant 0 : i32
    %dma_start3A_24 = arith.constant 0 : i32
    %dma_start3A_25 = tpu.memref_slice %arg2[%dma_start3A_23, %dma_start3A_24] : memref<5888x1024xf32, #tpu.memory_space<hbm>> -> memref<5888x1024xf32, #tpu.memory_space<hbm>>
    tpu.enqueue_indirect_dma source(%dma_start3A_25 : memref<5888x1024xf32, #tpu.memory_space<hbm>>) target(%arg12 : memref<16x1024xf32, #tpu.memory_space<vmem>>) offsets(%get3A_19 : vector<16xi32>) semaphore(%arg18 : memref<!tpu.dma_semaphore, #tpu.memory_space<semaphore_mem>>)
    %dma_start3A_26 = arith.constant 0 : i32
    %dma_start3A_27 = arith.constant 0 : i32
    %dma_start3A_28 = tpu.memref_slice %arg2[%dma_start3A_26, %dma_start3A_27] : memref<5888x1024xf32, #tpu.memory_space<hbm>> -> memref<5888x1024xf32, #tpu.memory_space<hbm>>
    tpu.enqueue_indirect_dma source(%dma_start3A_28 : memref<5888x1024xf32, #tpu.memory_space<hbm>>) target(%arg13 : memref<16x1024xf32, #tpu.memory_space<vmem>>) offsets(%get3A_22 : vector<16xi32>) semaphore(%arg19 : memref<!tpu.dma_semaphore, #tpu.memory_space<semaphore_mem>>)
    %dma_wait3A = arith.constant 0 : i32
    %dma_wait3A_29 = arith.constant 0 : i32
    %dma_wait3A_30 = tpu.memref_slice %arg2[%dma_wait3A, %dma_wait3A_29] : memref<5888x1024xf32, #tpu.memory_space<hbm>> -> memref<5888x1024xf32, #tpu.memory_space<hbm>>
    tpu.wait_indirect_dma semaphore(%arg16 : memref<!tpu.dma_semaphore, #tpu.memory_space<semaphore_mem>>) src(%dma_wait3A_30 : memref<5888x1024xf32, #tpu.memory_space<hbm>>) dst(%arg10 : memref<16x1024xf32, #tpu.memory_space<vmem>>)
    %dma_wait3A_31 = arith.constant 0 : i32
    %dma_wait3A_32 = arith.constant 0 : i32
    %dma_wait3A_33 = tpu.memref_slice %arg2[%dma_wait3A_31, %dma_wait3A_32] : memref<5888x1024xf32, #tpu.memory_space<hbm>> -> memref<5888x1024xf32, #tpu.memory_space<hbm>>
    tpu.wait_indirect_dma semaphore(%arg17 : memref<!tpu.dma_semaphore, #tpu.memory_space<semaphore_mem>>) src(%dma_wait3A_33 : memref<5888x1024xf32, #tpu.memory_space<hbm>>) dst(%arg11 : memref<16x1024xf32, #tpu.memory_space<vmem>>)
    %get3A_34 = arith.constant 0 : index
    %get3A_35 = tpu.vector_load %arg8[%get3A_34] {strides = array<i32>} : memref<64xf32, #tpu.memory_space<vmem>>, vector<16xf32>,
    %get3A_36 = vector.shape_cast %get3A_35 : vector<16xf32> to vector<16xf32>
    %get3A_37 = arith.constant 0 : index
    %get3A_38 = tpu.vector_load %arg9[%get3A_37] {strides = array<i32>} : memref<64xf32, #tpu.memory_space<vmem>>, vector<16xf32>,
    %get3A_39 = vector.shape_cast %get3A_38 : vector<16xf32> to vector<16xf32>
    %scan3A = arith.constant 0 : i32
    %scan3A_40 = arith.constant 0 : i32
    %scan3A_41 = arith.constant 16 : i32
    %scan3A_42 = arith.addi %scan3A_40, %scan3A_41 : i32
    %scan3A_43 = arith.constant 1 : i32
    %scan3A_44 = scf.for %scan3A_167 = %scan3A_40 to %scan3A_42 step %scan3A_43 iter_args(%scan3A_168 = %scan3A) -> (i32)  : i32 {
      %broadcast_in_dim3A = vector.broadcast %scan3A_167 : i32 to vector<16xi32>
      %lt3A = arith.constant 0 : i32
      %lt3A_169 = vector.broadcast %lt3A : i32 to vector<16xi32>
      %lt3A_170 = arith.cmpi slt, %broadcast_in_dim3A, %lt3A_169 : vector<16xi32>
      %add3A_171 = arith.constant 16 : i32
      %add3A_172 = vector.broadcast %add3A_171 : i32 to vector<16xi32>
      %add3A_173 = arith.addi %broadcast_in_dim3A, %add3A_172 : vector<16xi32>
      %select_n3A = arith.select %lt3A_170, %add3A_173, %broadcast_in_dim3A : vector<16xi1>, vector<16xi32>
      %broadcast_in_dim3A_174 = vector.shape_cast %select_n3A : vector<16xi32> to vector<16x1xi32>
      %gather3A = vector.shape_cast %broadcast_in_dim3A_174 : vector<16x1xi32> to vector<16xi32>
      %gather3A_175 = tpu.dynamic_gather %get3A_36[%gather3A] in [0] : vector<16xf32>, vector<16xi32> -> vector<16xf32>
      %lt3A_176 = arith.constant 0 : i32
      %lt3A_177 = vector.broadcast %lt3A_176 : i32 to vector<16xi32>
      %lt3A_178 = arith.cmpi slt, %broadcast_in_dim3A, %lt3A_177 : vector<16xi32>
      %add3A_179 = arith.constant 16 : i32
      %add3A_180 = vector.broadcast %add3A_179 : i32 to vector<16xi32>
      %add3A_181 = arith.addi %broadcast_in_dim3A, %add3A_180 : vector<16xi32>
      %select_n3A_182 = arith.select %lt3A_178, %add3A_181, %broadcast_in_dim3A : vector<16xi1>, vector<16xi32>
      %broadcast_in_dim3A_183 = vector.shape_cast %select_n3A_182 : vector<16xi32> to vector<16x1xi32>
      %gather3A_184 = vector.shape_cast %broadcast_in_dim3A_183 : vector<16x1xi32> to vector<16xi32>
      %gather3A_185 = tpu.dynamic_gather %get3A_39[%gather3A_184] in [0] : vector<16xf32>, vector<16xi32> -> vector<16xf32>
      %scan3A_186 = arith.constant 0 : i32
      %scan3A_187 = arith.constant 0 : i32
      %scan3A_188 = arith.constant 64 : i32
      %scan3A_189 = arith.addi %scan3A_187, %scan3A_188 : i32
      %scan3A_190 = arith.constant 4 : i32
      %scan3A_191 = scf.for %scan3A_193 = %scan3A_187 to %scan3A_189 step %scan3A_190 iter_args(%scan3A_194 = %scan3A_186) -> (i32)  : i32 {
        %mul3A_195 = arith.constant 16 : i32
        %mul3A_196 = arith.muli %scan3A_193, %mul3A_195 : i32
        %get3A_197 = arith.index_cast %scan3A_167 : i32 to index
        %get3A_198 = arith.index_cast %mul3A_196 : i32 to index
        %get3A_199 = tpu.vector_load %arg10[%get3A_197, %get3A_198] {strides = array<i32>} : memref<16x1024xf32, #tpu.memory_space<vmem>>, vector<1x16xf32>,
        %get3A_200 = vector.shape_cast %get3A_199 : vector<1x16xf32> to vector<16xf32>
        %mul3A_201 = arith.mulf %gather3A_175, %get3A_200 : vector<16xf32>
        %get3A_202 = arith.index_cast %scan3A_167 : i32 to index
        %get3A_203 = arith.index_cast %mul3A_196 : i32 to index
        %get3A_204 = tpu.vector_load %arg11[%get3A_202, %get3A_203] {strides = array<i32>} : memref<16x1024xf32, #tpu.memory_space<vmem>>, vector<1x16xf32>,
        %get3A_205 = vector.shape_cast %get3A_204 : vector<1x16xf32> to vector<16xf32>
        %mul3A_206 = arith.mulf %gather3A_185, %get3A_205 : vector<16xf32>
        %add3A_207 = arith.addf %mul3A_201, %mul3A_206 : vector<16xf32>
        %swap3A = arith.index_cast %scan3A_167 : i32 to index
        %swap3A_208 = arith.index_cast %mul3A_196 : i32 to index
        %swap3A_209 = tpu.vector_load %arg14[%swap3A, %swap3A_208] {strides = array<i32>} : memref<16x1024xf32, #tpu.memory_space<vmem>>, vector<1x16xf32>,
        %swap3A_210 = vector.shape_cast %swap3A_209 : vector<1x16xf32> to vector<16xf32>
        %swap3A_211 = vector.shape_cast %add3A_207 : vector<16xf32> to vector<1x16xf32>
        tpu.vector_store %arg14[%swap3A, %swap3A_208], %swap3A_211 {strides = array<i32>} : memref<16x1024xf32, #tpu.memory_space<vmem>>, vector<1x16xf32>,
        %scan3A_212 = arith.constant 0 : i32
        %scan3A_213 = arith.constant 1 : i32
        %scan3A_214 = arith.addi %scan3A_193, %scan3A_213 : i32
        %mul3A_215 = arith.constant 16 : i32
        %mul3A_216 = arith.muli %scan3A_214, %mul3A_215 : i32
        %get3A_217 = arith.index_cast %scan3A_167 : i32 to index
        %get3A_218 = arith.index_cast %mul3A_216 : i32 to index
        %get3A_219 = tpu.vector_load %arg10[%get3A_217, %get3A_218] {strides = array<i32>} : memref<16x1024xf32, #tpu.memory_space<vmem>>, vector<1x16xf32>,
        %get3A_220 = vector.shape_cast %get3A_219 : vector<1x16xf32> to vector<16xf32>
        %mul3A_221 = arith.mulf %gather3A_175, %get3A_220 : vector<16xf32>
        %get3A_222 = arith.index_cast %scan3A_167 : i32 to index
        %get3A_223 = arith.index_cast %mul3A_216 : i32 to index
        %get3A_224 = tpu.vector_load %arg11[%get3A_222, %get3A_223] {strides = array<i32>} : memref<16x1024xf32, #tpu.memory_space<vmem>>, vector<1x16xf32>,
        %get3A_225 = vector.shape_cast %get3A_224 : vector<1x16xf32> to vector<16xf32>
        %mul3A_226 = arith.mulf %gather3A_185, %get3A_225 : vector<16xf32>
        %add3A_227 = arith.addf %mul3A_221, %mul3A_226 : vector<16xf32>
        %swap3A_228 = arith.index_cast %scan3A_167 : i32 to index
        %swap3A_229 = arith.index_cast %mul3A_216 : i32 to index
        %swap3A_230 = tpu.vector_load %arg14[%swap3A_228, %swap3A_229] {strides = array<i32>} : memref<16x1024xf32, #tpu.memory_space<vmem>>, vector<1x16xf32>,
        %swap3A_231 = vector.shape_cast %swap3A_230 : vector<1x16xf32> to vector<16xf32>
        %swap3A_232 = vector.shape_cast %add3A_227 : vector<16xf32> to vector<1x16xf32>
        tpu.vector_store %arg14[%swap3A_228, %swap3A_229], %swap3A_232 {strides = array<i32>} : memref<16x1024xf32, #tpu.memory_space<vmem>>, vector<1x16xf32>,
        %scan3A_233 = arith.constant 0 : i32
        %scan3A_234 = arith.constant 2 : i32
        %scan3A_235 = arith.addi %scan3A_193, %scan3A_234 : i32
        %mul3A_236 = arith.constant 16 : i32
        %mul3A_237 = arith.muli %scan3A_235, %mul3A_236 : i32
        %get3A_238 = arith.index_cast %scan3A_167 : i32 to index
        %get3A_239 = arith.index_cast %mul3A_237 : i32 to index
        %get3A_240 = tpu.vector_load %arg10[%get3A_238, %get3A_239] {strides = array<i32>} : memref<16x1024xf32, #tpu.memory_space<vmem>>, vector<1x16xf32>,
        %get3A_241 = vector.shape_cast %get3A_240 : vector<1x16xf32> to vector<16xf32>
        %mul3A_242 = arith.mulf %gather3A_175, %get3A_241 : vector<16xf32>
        %get3A_243 = arith.index_cast %scan3A_167 : i32 to index
        %get3A_244 = arith.index_cast %mul3A_237 : i32 to index
        %get3A_245 = tpu.vector_load %arg11[%get3A_243, %get3A_244] {strides = array<i32>} : memref<16x1024xf32, #tpu.memory_space<vmem>>, vector<1x16xf32>,
        %get3A_246 = vector.shape_cast %get3A_245 : vector<1x16xf32> to vector<16xf32>
        %mul3A_247 = arith.mulf %gather3A_185, %get3A_246 : vector<16xf32>
        %add3A_248 = arith.addf %mul3A_242, %mul3A_247 : vector<16xf32>
        %swap3A_249 = arith.index_cast %scan3A_167 : i32 to index
        %swap3A_250 = arith.index_cast %mul3A_237 : i32 to index
        %swap3A_251 = tpu.vector_load %arg14[%swap3A_249, %swap3A_250] {strides = array<i32>} : memref<16x1024xf32, #tpu.memory_space<vmem>>, vector<1x16xf32>,
        %swap3A_252 = vector.shape_cast %swap3A_251 : vector<1x16xf32> to vector<16xf32>
        %swap3A_253 = vector.shape_cast %add3A_248 : vector<16xf32> to vector<1x16xf32>
        tpu.vector_store %arg14[%swap3A_249, %swap3A_250], %swap3A_253 {strides = array<i32>} : memref<16x1024xf32, #tpu.memory_space<vmem>>, vector<1x16xf32>,
        %scan3A_254 = arith.constant 0 : i32
        %scan3A_255 = arith.constant 3 : i32
        %scan3A_256 = arith.addi %scan3A_193, %scan3A_255 : i32
        %mul3A_257 = arith.constant 16 : i32
        %mul3A_258 = arith.muli %scan3A_256, %mul3A_257 : i32
        %get3A_259 = arith.index_cast %scan3A_167 : i32 to index
        %get3A_260 = arith.index_cast %mul3A_258 : i32 to index
        %get3A_261 = tpu.vector_load %arg10[%get3A_259, %get3A_260] {strides = array<i32>} : memref<16x1024xf32, #tpu.memory_space<vmem>>, vector<1x16xf32>,
        %get3A_262 = vector.shape_cast %get3A_261 : vector<1x16xf32> to vector<16xf32>
        %mul3A_263 = arith.mulf %gather3A_175, %get3A_262 : vector<16xf32>
        %get3A_264 = arith.index_cast %scan3A_167 : i32 to index
        %get3A_265 = arith.index_cast %mul3A_258 : i32 to index
        %get3A_266 = tpu.vector_load %arg11[%get3A_264, %get3A_265] {strides = array<i32>} : memref<16x1024xf32, #tpu.memory_space<vmem>>, vector<1x16xf32>,
        %get3A_267 = vector.shape_cast %get3A_266 : vector<1x16xf32> to vector<16xf32>
        %mul3A_268 = arith.mulf %gather3A_185, %get3A_267 : vector<16xf32>
        %add3A_269 = arith.addf %mul3A_263, %mul3A_268 : vector<16xf32>
        %swap3A_270 = arith.index_cast %scan3A_167 : i32 to index
        %swap3A_271 = arith.index_cast %mul3A_258 : i32 to index
        %swap3A_272 = tpu.vector_load %arg14[%swap3A_270, %swap3A_271] {strides = array<i32>} : memref<16x1024xf32, #tpu.memory_space<vmem>>, vector<1x16xf32>,
        %swap3A_273 = vector.shape_cast %swap3A_272 : vector<1x16xf32> to vector<16xf32>
        %swap3A_274 = vector.shape_cast %add3A_269 : vector<16xf32> to vector<1x16xf32>
        tpu.vector_store %arg14[%swap3A_270, %swap3A_271], %swap3A_274 {strides = array<i32>} : memref<16x1024xf32, #tpu.memory_space<vmem>>, vector<1x16xf32>,
        %scan3A_275 = arith.constant 0 : i32
        scf.yield %scan3A_275 : i32
      }
      %scan3A_192 = arith.constant 64 : i32
      scf.yield %scan3A_191 : i32
    }
    %scan3A_45 = arith.constant 16 : i32
    %add3A_46 = arith.constant 0 : i32
    %add3A_47 = arith.addi %mul3A_2, %add3A_46 : i32
    %dma_start3A_48 = arith.constant 0 : i32
    %dma_start3A_49 = tpu.memref_slice %arg5[%add3A_47, %dma_start3A_48] : memref<2048x1024xf32, #tpu.memory_space<hbm>> -> memref<16x1024xf32, #tpu.memory_space<hbm>>
    %dma_start3A_50 = arith.constant 0 : i32
    %dma_start3A_51 = tpu.memref_slice %arg5[%add3A_47, %dma_start3A_50] : memref<2048x1024xf32, #tpu.memory_space<hbm>> -> memref<16x1024xf32, #tpu.memory_space<hbm>>
    tpu.enqueue_dma source(%arg14 : memref<16x1024xf32, #tpu.memory_space<vmem>>) target(%dma_start3A_51 : memref<16x1024xf32, #tpu.memory_space<hbm>>) target_semaphore(%arg20 : memref<!tpu.dma_semaphore, #tpu.memory_space<semaphore_mem>>)
    %get3A_52 = arith.constant 32 : index
    %get3A_53 = tpu.vector_load %arg6[%get3A_52] {strides = array<i32>} : memref<64xi32, #tpu.memory_space<vmem>>, vector<16xi32>,
    %get3A_54 = vector.shape_cast %get3A_53 : vector<16xi32> to vector<16xi32>
    %get3A_55 = arith.constant 32 : index
    %get3A_56 = tpu.vector_load %arg7[%get3A_55] {strides = array<i32>} : memref<64xi32, #tpu.memory_space<vmem>>, vector<16xi32>,
    %get3A_57 = vector.shape_cast %get3A_56 : vector<16xi32> to vector<16xi32>
    %dma_start3A_58 = arith.constant 0 : i32
    %dma_start3A_59 = arith.constant 0 : i32
    %dma_start3A_60 = tpu.memref_slice %arg2[%dma_start3A_58, %dma_start3A_59] : memref<5888x1024xf32, #tpu.memory_space<hbm>> -> memref<5888x1024xf32, #tpu.memory_space<hbm>>
    tpu.enqueue_indirect_dma source(%dma_start3A_60 : memref<5888x1024xf32, #tpu.memory_space<hbm>>) target(%arg10 : memref<16x1024xf32, #tpu.memory_space<vmem>>) offsets(%get3A_54 : vector<16xi32>) semaphore(%arg16 : memref<!tpu.dma_semaphore, #tpu.memory_space<semaphore_mem>>)
    %dma_start3A_61 = arith.constant 0 : i32
    %dma_start3A_62 = arith.constant 0 : i32
    %dma_start3A_63 = tpu.memref_slice %arg2[%dma_start3A_61, %dma_start3A_62] : memref<5888x1024xf32, #tpu.memory_space<hbm>> -> memref<5888x1024xf32, #tpu.memory_space<hbm>>
    tpu.enqueue_indirect_dma source(%dma_start3A_63 : memref<5888x1024xf32, #tpu.memory_space<hbm>>) target(%arg11 : memref<16x1024xf32, #tpu.memory_space<vmem>>) offsets(%get3A_57 : vector<16xi32>) semaphore(%arg17 : memref<!tpu.dma_semaphore, #tpu.memory_space<semaphore_mem>>)
    %dma_wait3A_64 = arith.constant 0 : i32
    %dma_wait3A_65 = arith.constant 0 : i32
    %dma_wait3A_66 = tpu.memref_slice %arg2[%dma_wait3A_64, %dma_wait3A_65] : memref<5888x1024xf32, #tpu.memory_space<hbm>> -> memref<5888x1024xf32, #tpu.memory_space<hbm>>
    tpu.wait_indirect_dma semaphore(%arg18 : memref<!tpu.dma_semaphore, #tpu.memory_space<semaphore_mem>>) src(%dma_wait3A_66 : memref<5888x1024xf32, #tpu.memory_space<hbm>>) dst(%arg12 : memref<16x1024xf32, #tpu.memory_space<vmem>>)
    %dma_wait3A_67 = arith.constant 0 : i32
    %dma_wait3A_68 = arith.constant 0 : i32
    %dma_wait3A_69 = tpu.memref_slice %arg2[%dma_wait3A_67, %dma_wait3A_68] : memref<5888x1024xf32, #tpu.memory_space<hbm>> -> memref<5888x1024xf32, #tpu.memory_space<hbm>>
    tpu.wait_indirect_dma semaphore(%arg19 : memref<!tpu.dma_semaphore, #tpu.memory_space<semaphore_mem>>) src(%dma_wait3A_69 : memref<5888x1024xf32, #tpu.memory_space<hbm>>) dst(%arg13 : memref<16x1024xf32, #tpu.memory_space<vmem>>)
    %get3A_70 = arith.constant 16 : index
    %get3A_71 = tpu.vector_load %arg8[%get3A_70] {strides = array<i32>} : memref<64xf32, #tpu.memory_space<vmem>>, vector<16xf32>,
    %get3A_72 = vector.shape_cast %get3A_71 : vector<16xf32> to vector<16xf32>
    %get3A_73 = arith.constant 16 : index
    %get3A_74 = tpu.vector_load %arg9[%get3A_73] {strides = array<i32>} : memref<64xf32, #tpu.memory_space<vmem>>, vector<16xf32>,
    %get3A_75 = vector.shape_cast %get3A_74 : vector<16xf32> to vector<16xf32>
    %scan3A_76 = arith.constant 0 : i32
    %scan3A_77 = arith.constant 0 : i32
    %scan3A_78 = arith.constant 16 : i32
    %scan3A_79 = arith.addi %scan3A_77, %scan3A_78 : i32
    %scan3A_80 = arith.constant 1 : i32
    %scan3A_81 = scf.for %scan3A_167 = %scan3A_77 to %scan3A_79 step %scan3A_80 iter_args(%scan3A_168 = %scan3A_76) -> (i32)  : i32 {
      %broadcast_in_dim3A = vector.broadcast %scan3A_167 : i32 to vector<16xi32>
      %lt3A = arith.constant 0 : i32
      %lt3A_169 = vector.broadcast %lt3A : i32 to vector<16xi32>
      %lt3A_170 = arith.cmpi slt, %broadcast_in_dim3A, %lt3A_169 : vector<16xi32>
      %add3A_171 = arith.constant 16 : i32
      %add3A_172 = vector.broadcast %add3A_171 : i32 to vector<16xi32>
      %add3A_173 = arith.addi %broadcast_in_dim3A, %add3A_172 : vector<16xi32>
      %select_n3A = arith.select %lt3A_170, %add3A_173, %broadcast_in_dim3A : vector<16xi1>, vector<16xi32>
      %broadcast_in_dim3A_174 = vector.shape_cast %select_n3A : vector<16xi32> to vector<16x1xi32>
      %gather3A = vector.shape_cast %broadcast_in_dim3A_174 : vector<16x1xi32> to vector<16xi32>
      %gather3A_175 = tpu.dynamic_gather %get3A_72[%gather3A] in [0] : vector<16xf32>, vector<16xi32> -> vector<16xf32>
      %lt3A_176 = arith.constant 0 : i32
      %lt3A_177 = vector.broadcast %lt3A_176 : i32 to vector<16xi32>
      %lt3A_178 = arith.cmpi slt, %broadcast_in_dim3A, %lt3A_177 : vector<16xi32>
      %add3A_179 = arith.constant 16 : i32
      %add3A_180 = vector.broadcast %add3A_179 : i32 to vector<16xi32>
      %add3A_181 = arith.addi %broadcast_in_dim3A, %add3A_180 : vector<16xi32>
      %select_n3A_182 = arith.select %lt3A_178, %add3A_181, %broadcast_in_dim3A : vector<16xi1>, vector<16xi32>
      %broadcast_in_dim3A_183 = vector.shape_cast %select_n3A_182 : vector<16xi32> to vector<16x1xi32>
      %gather3A_184 = vector.shape_cast %broadcast_in_dim3A_183 : vector<16x1xi32> to vector<16xi32>
      %gather3A_185 = tpu.dynamic_gather %get3A_75[%gather3A_184] in [0] : vector<16xf32>, vector<16xi32> -> vector<16xf32>
      %scan3A_186 = arith.constant 0 : i32
      %scan3A_187 = arith.constant 0 : i32
      %scan3A_188 = arith.constant 64 : i32
      %scan3A_189 = arith.addi %scan3A_187, %scan3A_188 : i32
      %scan3A_190 = arith.constant 4 : i32
      %scan3A_191 = scf.for %scan3A_193 = %scan3A_187 to %scan3A_189 step %scan3A_190 iter_args(%scan3A_194 = %scan3A_186) -> (i32)  : i32 {
        %mul3A_195 = arith.constant 16 : i32
        %mul3A_196 = arith.muli %scan3A_193, %mul3A_195 : i32
        %get3A_197 = arith.index_cast %scan3A_167 : i32 to index
        %get3A_198 = arith.index_cast %mul3A_196 : i32 to index
        %get3A_199 = tpu.vector_load %arg12[%get3A_197, %get3A_198] {strides = array<i32>} : memref<16x1024xf32, #tpu.memory_space<vmem>>, vector<1x16xf32>,
        %get3A_200 = vector.shape_cast %get3A_199 : vector<1x16xf32> to vector<16xf32>
        %mul3A_201 = arith.mulf %gather3A_175, %get3A_200 : vector<16xf32>
        %get3A_202 = arith.index_cast %scan3A_167 : i32 to index
        %get3A_203 = arith.index_cast %mul3A_196 : i32 to index
        %get3A_204 = tpu.vector_load %arg13[%get3A_202, %get3A_203] {strides = array<i32>} : memref<16x1024xf32, #tpu.memory_space<vmem>>, vector<1x16xf32>,
        %get3A_205 = vector.shape_cast %get3A_204 : vector<1x16xf32> to vector<16xf32>
        %mul3A_206 = arith.mulf %gather3A_185, %get3A_205 : vector<16xf32>
        %add3A_207 = arith.addf %mul3A_201, %mul3A_206 : vector<16xf32>
        %swap3A = arith.index_cast %scan3A_167 : i32 to index
        %swap3A_208 = arith.index_cast %mul3A_196 : i32 to index
        %swap3A_209 = tpu.vector_load %arg15[%swap3A, %swap3A_208] {strides = array<i32>} : memref<16x1024xf32, #tpu.memory_space<vmem>>, vector<1x16xf32>,
        %swap3A_210 = vector.shape_cast %swap3A_209 : vector<1x16xf32> to vector<16xf32>
        %swap3A_211 = vector.shape_cast %add3A_207 : vector<16xf32> to vector<1x16xf32>
        tpu.vector_store %arg15[%swap3A, %swap3A_208], %swap3A_211 {strides = array<i32>} : memref<16x1024xf32, #tpu.memory_space<vmem>>, vector<1x16xf32>,
        %scan3A_212 = arith.constant 0 : i32
        %scan3A_213 = arith.constant 1 : i32
        %scan3A_214 = arith.addi %scan3A_193, %scan3A_213 : i32
        %mul3A_215 = arith.constant 16 : i32
        %mul3A_216 = arith.muli %scan3A_214, %mul3A_215 : i32
        %get3A_217 = arith.index_cast %scan3A_167 : i32 to index
        %get3A_218 = arith.index_cast %mul3A_216 : i32 to index
        %get3A_219 = tpu.vector_load %arg12[%get3A_217, %get3A_218] {strides = array<i32>} : memref<16x1024xf32, #tpu.memory_space<vmem>>, vector<1x16xf32>,
        %get3A_220 = vector.shape_cast %get3A_219 : vector<1x16xf32> to vector<16xf32>
        %mul3A_221 = arith.mulf %gather3A_175, %get3A_220 : vector<16xf32>
        %get3A_222 = arith.index_cast %scan3A_167 : i32 to index
        %get3A_223 = arith.index_cast %mul3A_216 : i32 to index
        %get3A_224 = tpu.vector_load %arg13[%get3A_222, %get3A_223] {strides = array<i32>} : memref<16x1024xf32, #tpu.memory_space<vmem>>, vector<1x16xf32>,
        %get3A_225 = vector.shape_cast %get3A_224 : vector<1x16xf32> to vector<16xf32>
        %mul3A_226 = arith.mulf %gather3A_185, %get3A_225 : vector<16xf32>
        %add3A_227 = arith.addf %mul3A_221, %mul3A_226 : vector<16xf32>
        %swap3A_228 = arith.index_cast %scan3A_167 : i32 to index
        %swap3A_229 = arith.index_cast %mul3A_216 : i32 to index
        %swap3A_230 = tpu.vector_load %arg15[%swap3A_228, %swap3A_229] {strides = array<i32>} : memref<16x1024xf32, #tpu.memory_space<vmem>>, vector<1x16xf32>,
        %swap3A_231 = vector.shape_cast %swap3A_230 : vector<1x16xf32> to vector<16xf32>
        %swap3A_232 = vector.shape_cast %add3A_227 : vector<16xf32> to vector<1x16xf32>
        tpu.vector_store %arg15[%swap3A_228, %swap3A_229], %swap3A_232 {strides = array<i32>} : memref<16x1024xf32, #tpu.memory_space<vmem>>, vector<1x16xf32>,
        %scan3A_233 = arith.constant 0 : i32
        %scan3A_234 = arith.constant 2 : i32
        %scan3A_235 = arith.addi %scan3A_193, %scan3A_234 : i32
        %mul3A_236 = arith.constant 16 : i32
        %mul3A_237 = arith.muli %scan3A_235, %mul3A_236 : i32
        %get3A_238 = arith.index_cast %scan3A_167 : i32 to index
        %get3A_239 = arith.index_cast %mul3A_237 : i32 to index
        %get3A_240 = tpu.vector_load %arg12[%get3A_238, %get3A_239] {strides = array<i32>} : memref<16x1024xf32, #tpu.memory_space<vmem>>, vector<1x16xf32>,
        %get3A_241 = vector.shape_cast %get3A_240 : vector<1x16xf32> to vector<16xf32>
        %mul3A_242 = arith.mulf %gather3A_175, %get3A_241 : vector<16xf32>
        %get3A_243 = arith.index_cast %scan3A_167 : i32 to index
        %get3A_244 = arith.index_cast %mul3A_237 : i32 to index
        %get3A_245 = tpu.vector_load %arg13[%get3A_243, %get3A_244] {strides = array<i32>} : memref<16x1024xf32, #tpu.memory_space<vmem>>, vector<1x16xf32>,
        %get3A_246 = vector.shape_cast %get3A_245 : vector<1x16xf32> to vector<16xf32>
        %mul3A_247 = arith.mulf %gather3A_185, %get3A_246 : vector<16xf32>
        %add3A_248 = arith.addf %mul3A_242, %mul3A_247 : vector<16xf32>
        %swap3A_249 = arith.index_cast %scan3A_167 : i32 to index
        %swap3A_250 = arith.index_cast %mul3A_237 : i32 to index
        %swap3A_251 = tpu.vector_load %arg15[%swap3A_249, %swap3A_250] {strides = array<i32>} : memref<16x1024xf32, #tpu.memory_space<vmem>>, vector<1x16xf32>,
        %swap3A_252 = vector.shape_cast %swap3A_251 : vector<1x16xf32> to vector<16xf32>
        %swap3A_253 = vector.shape_cast %add3A_248 : vector<16xf32> to vector<1x16xf32>
        tpu.vector_store %arg15[%swap3A_249, %swap3A_250], %swap3A_253 {strides = array<i32>} : memref<16x1024xf32, #tpu.memory_space<vmem>>, vector<1x16xf32>,
        %scan3A_254 = arith.constant 0 : i32
        %scan3A_255 = arith.constant 3 : i32
        %scan3A_256 = arith.addi %scan3A_193, %scan3A_255 : i32
        %mul3A_257 = arith.constant 16 : i32
        %mul3A_258 = arith.muli %scan3A_256, %mul3A_257 : i32
        %get3A_259 = arith.index_cast %scan3A_167 : i32 to index
        %get3A_260 = arith.index_cast %mul3A_258 : i32 to index
        %get3A_261 = tpu.vector_load %arg12[%get3A_259, %get3A_260] {strides = array<i32>} : memref<16x1024xf32, #tpu.memory_space<vmem>>, vector<1x16xf32>,
        %get3A_262 = vector.shape_cast %get3A_261 : vector<1x16xf32> to vector<16xf32>
        %mul3A_263 = arith.mulf %gather3A_175, %get3A_262 : vector<16xf32>
        %get3A_264 = arith.index_cast %scan3A_167 : i32 to index
        %get3A_265 = arith.index_cast %mul3A_258 : i32 to index
        %get3A_266 = tpu.vector_load %arg13[%get3A_264, %get3A_265] {strides = array<i32>} : memref<16x1024xf32, #tpu.memory_space<vmem>>, vector<1x16xf32>,
        %get3A_267 = vector.shape_cast %get3A_266 : vector<1x16xf32> to vector<16xf32>
        %mul3A_268 = arith.mulf %gather3A_185, %get3A_267 : vector<16xf32>
        %add3A_269 = arith.addf %mul3A_263, %mul3A_268 : vector<16xf32>
        %swap3A_270 = arith.index_cast %scan3A_167 : i32 to index
        %swap3A_271 = arith.index_cast %mul3A_258 : i32 to index
        %swap3A_272 = tpu.vector_load %arg15[%swap3A_270, %swap3A_271] {strides = array<i32>} : memref<16x1024xf32, #tpu.memory_space<vmem>>, vector<1x16xf32>,
        %swap3A_273 = vector.shape_cast %swap3A_272 : vector<1x16xf32> to vector<16xf32>
        %swap3A_274 = vector.shape_cast %add3A_269 : vector<16xf32> to vector<1x16xf32>
        tpu.vector_store %arg15[%swap3A_270, %swap3A_271], %swap3A_274 {strides = array<i32>} : memref<16x1024xf32, #tpu.memory_space<vmem>>, vector<1x16xf32>,
        %scan3A_275 = arith.constant 0 : i32
        scf.yield %scan3A_275 : i32
      }
      %scan3A_192 = arith.constant 64 : i32
      scf.yield %scan3A_191 : i32
    }
    %scan3A_82 = arith.constant 16 : i32
    %add3A_83 = arith.constant 16 : i32
    %add3A_84 = arith.addi %mul3A_2, %add3A_83 : i32
    %dma_start3A_85 = arith.constant 0 : i32
    %dma_start3A_86 = tpu.memref_slice %arg5[%add3A_84, %dma_start3A_85] : memref<2048x1024xf32, #tpu.memory_space<hbm>> -> memref<16x1024xf32, #tpu.memory_space<hbm>>
    %dma_start3A_87 = arith.constant 0 : i32
    %dma_start3A_88 = tpu.memref_slice %arg5[%add3A_84, %dma_start3A_87] : memref<2048x1024xf32, #tpu.memory_space<hbm>> -> memref<16x1024xf32, #tpu.memory_space<hbm>>
    tpu.enqueue_dma source(%arg15 : memref<16x1024xf32, #tpu.memory_space<vmem>>) target(%dma_start3A_88 : memref<16x1024xf32, #tpu.memory_space<hbm>>) target_semaphore(%arg21 : memref<!tpu.dma_semaphore, #tpu.memory_space<semaphore_mem>>)
    %get3A_89 = arith.constant 48 : index
    %get3A_90 = tpu.vector_load %arg6[%get3A_89] {strides = array<i32>} : memref<64xi32, #tpu.memory_space<vmem>>, vector<16xi32>,
    %get3A_91 = vector.shape_cast %get3A_90 : vector<16xi32> to vector<16xi32>
    %get3A_92 = arith.constant 48 : index
    %get3A_93 = tpu.vector_load %arg7[%get3A_92] {strides = array<i32>} : memref<64xi32, #tpu.memory_space<vmem>>, vector<16xi32>,
    %get3A_94 = vector.shape_cast %get3A_93 : vector<16xi32> to vector<16xi32>
    %dma_start3A_95 = arith.constant 0 : i32
    %dma_start3A_96 = arith.constant 0 : i32
    %dma_start3A_97 = tpu.memref_slice %arg2[%dma_start3A_95, %dma_start3A_96] : memref<5888x1024xf32, #tpu.memory_space<hbm>> -> memref<5888x1024xf32, #tpu.memory_space<hbm>>
    tpu.enqueue_indirect_dma source(%dma_start3A_97 : memref<5888x1024xf32, #tpu.memory_space<hbm>>) target(%arg12 : memref<16x1024xf32, #tpu.memory_space<vmem>>) offsets(%get3A_91 : vector<16xi32>) semaphore(%arg18 : memref<!tpu.dma_semaphore, #tpu.memory_space<semaphore_mem>>)
    %dma_start3A_98 = arith.constant 0 : i32
    %dma_start3A_99 = arith.constant 0 : i32
    %dma_start3A_100 = tpu.memref_slice %arg2[%dma_start3A_98, %dma_start3A_99] : memref<5888x1024xf32, #tpu.memory_space<hbm>> -> memref<5888x1024xf32, #tpu.memory_space<hbm>>
    tpu.enqueue_indirect_dma source(%dma_start3A_100 : memref<5888x1024xf32, #tpu.memory_space<hbm>>) target(%arg13 : memref<16x1024xf32, #tpu.memory_space<vmem>>) offsets(%get3A_94 : vector<16xi32>) semaphore(%arg19 : memref<!tpu.dma_semaphore, #tpu.memory_space<semaphore_mem>>)
    %dma_wait3A_101 = arith.constant 0 : i32
    %dma_wait3A_102 = arith.constant 0 : i32
    %dma_wait3A_103 = tpu.memref_slice %arg2[%dma_wait3A_101, %dma_wait3A_102] : memref<5888x1024xf32, #tpu.memory_space<hbm>> -> memref<5888x1024xf32, #tpu.memory_space<hbm>>
    tpu.wait_indirect_dma semaphore(%arg16 : memref<!tpu.dma_semaphore, #tpu.memory_space<semaphore_mem>>) src(%dma_wait3A_103 : memref<5888x1024xf32, #tpu.memory_space<hbm>>) dst(%arg10 : memref<16x1024xf32, #tpu.memory_space<vmem>>)
    %dma_wait3A_104 = arith.constant 0 : i32
    %dma_wait3A_105 = arith.constant 0 : i32
    %dma_wait3A_106 = tpu.memref_slice %arg2[%dma_wait3A_104, %dma_wait3A_105] : memref<5888x1024xf32, #tpu.memory_space<hbm>> -> memref<5888x1024xf32, #tpu.memory_space<hbm>>
    tpu.wait_indirect_dma semaphore(%arg17 : memref<!tpu.dma_semaphore, #tpu.memory_space<semaphore_mem>>) src(%dma_wait3A_106 : memref<5888x1024xf32, #tpu.memory_space<hbm>>) dst(%arg11 : memref<16x1024xf32, #tpu.memory_space<vmem>>)
    %dma_wait3A_107 = arith.constant 0 : i32
    %dma_wait3A_108 = tpu.memref_slice %arg5[%add3A_47, %dma_wait3A_107] : memref<2048x1024xf32, #tpu.memory_space<hbm>> -> memref<16x1024xf32, #tpu.memory_space<hbm>>
    %dma_wait3A_109 = arith.constant 0 : i32
    %dma_wait3A_110 = tpu.memref_slice %arg5[%add3A_47, %dma_wait3A_109] : memref<2048x1024xf32, #tpu.memory_space<hbm>> -> memref<16x1024xf32, #tpu.memory_space<hbm>>
    tpu.wait_dma2 semaphore(%arg20 : memref<!tpu.dma_semaphore, #tpu.memory_space<semaphore_mem>>) src(%arg14 : memref<16x1024xf32, #tpu.memory_space<vmem>>) dst(%dma_wait3A_110 : memref<16x1024xf32, #tpu.memory_space<hbm>>)
    %get3A_111 = arith.constant 32 : index
    %get3A_112 = tpu.vector_load %arg8[%get3A_111] {strides = array<i32>} : memref<64xf32, #tpu.memory_space<vmem>>, vector<16xf32>,
    %get3A_113 = vector.shape_cast %get3A_112 : vector<16xf32> to vector<16xf32>
    %get3A_114 = arith.constant 32 : index
    %get3A_115 = tpu.vector_load %arg9[%get3A_114] {strides = array<i32>} : memref<64xf32, #tpu.memory_space<vmem>>, vector<16xf32>,
    %get3A_116 = vector.shape_cast %get3A_115 : vector<16xf32> to vector<16xf32>
    %scan3A_117 = arith.constant 0 : i32
    %scan3A_118 = arith.constant 0 : i32
    %scan3A_119 = arith.constant 16 : i32
    %scan3A_120 = arith.addi %scan3A_118, %scan3A_119 : i32
    %scan3A_121 = arith.constant 1 : i32
    %scan3A_122 = scf.for %scan3A_167 = %scan3A_118 to %scan3A_120 step %scan3A_121 iter_args(%scan3A_168 = %scan3A_117) -> (i32)  : i32 {
      %broadcast_in_dim3A = vector.broadcast %scan3A_167 : i32 to vector<16xi32>
      %lt3A = arith.constant 0 : i32
      %lt3A_169 = vector.broadcast %lt3A : i32 to vector<16xi32>
      %lt3A_170 = arith.cmpi slt, %broadcast_in_dim3A, %lt3A_169 : vector<16xi32>
      %add3A_171 = arith.constant 16 : i32
      %add3A_172 = vector.broadcast %add3A_171 : i32 to vector<16xi32>
      %add3A_173 = arith.addi %broadcast_in_dim3A, %add3A_172 : vector<16xi32>
      %select_n3A = arith.select %lt3A_170, %add3A_173, %broadcast_in_dim3A : vector<16xi1>, vector<16xi32>
      %broadcast_in_dim3A_174 = vector.shape_cast %select_n3A : vector<16xi32> to vector<16x1xi32>
      %gather3A = vector.shape_cast %broadcast_in_dim3A_174 : vector<16x1xi32> to vector<16xi32>
      %gather3A_175 = tpu.dynamic_gather %get3A_113[%gather3A] in [0] : vector<16xf32>, vector<16xi32> -> vector<16xf32>
      %lt3A_176 = arith.constant 0 : i32
      %lt3A_177 = vector.broadcast %lt3A_176 : i32 to vector<16xi32>
      %lt3A_178 = arith.cmpi slt, %broadcast_in_dim3A, %lt3A_177 : vector<16xi32>
      %add3A_179 = arith.constant 16 : i32
      %add3A_180 = vector.broadcast %add3A_179 : i32 to vector<16xi32>
      %add3A_181 = arith.addi %broadcast_in_dim3A, %add3A_180 : vector<16xi32>
      %select_n3A_182 = arith.select %lt3A_178, %add3A_181, %broadcast_in_dim3A : vector<16xi1>, vector<16xi32>
      %broadcast_in_dim3A_183 = vector.shape_cast %select_n3A_182 : vector<16xi32> to vector<16x1xi32>
      %gather3A_184 = vector.shape_cast %broadcast_in_dim3A_183 : vector<16x1xi32> to vector<16xi32>
      %gather3A_185 = tpu.dynamic_gather %get3A_116[%gather3A_184] in [0] : vector<16xf32>, vector<16xi32> -> vector<16xf32>
      %scan3A_186 = arith.constant 0 : i32
      %scan3A_187 = arith.constant 0 : i32
      %scan3A_188 = arith.constant 64 : i32
      %scan3A_189 = arith.addi %scan3A_187, %scan3A_188 : i32
      %scan3A_190 = arith.constant 4 : i32
      %scan3A_191 = scf.for %scan3A_193 = %scan3A_187 to %scan3A_189 step %scan3A_190 iter_args(%scan3A_194 = %scan3A_186) -> (i32)  : i32 {
        %mul3A_195 = arith.constant 16 : i32
        %mul3A_196 = arith.muli %scan3A_193, %mul3A_195 : i32
        %get3A_197 = arith.index_cast %scan3A_167 : i32 to index
        %get3A_198 = arith.index_cast %mul3A_196 : i32 to index
        %get3A_199 = tpu.vector_load %arg10[%get3A_197, %get3A_198] {strides = array<i32>} : memref<16x1024xf32, #tpu.memory_space<vmem>>, vector<1x16xf32>,
        %get3A_200 = vector.shape_cast %get3A_199 : vector<1x16xf32> to vector<16xf32>
        %mul3A_201 = arith.mulf %gather3A_175, %get3A_200 : vector<16xf32>
        %get3A_202 = arith.index_cast %scan3A_167 : i32 to index
        %get3A_203 = arith.index_cast %mul3A_196 : i32 to index
        %get3A_204 = tpu.vector_load %arg11[%get3A_202, %get3A_203] {strides = array<i32>} : memref<16x1024xf32, #tpu.memory_space<vmem>>, vector<1x16xf32>,
        %get3A_205 = vector.shape_cast %get3A_204 : vector<1x16xf32> to vector<16xf32>
        %mul3A_206 = arith.mulf %gather3A_185, %get3A_205 : vector<16xf32>
        %add3A_207 = arith.addf %mul3A_201, %mul3A_206 : vector<16xf32>
        %swap3A = arith.index_cast %scan3A_167 : i32 to index
        %swap3A_208 = arith.index_cast %mul3A_196 : i32 to index
        %swap3A_209 = tpu.vector_load %arg14[%swap3A, %swap3A_208] {strides = array<i32>} : memref<16x1024xf32, #tpu.memory_space<vmem>>, vector<1x16xf32>,
        %swap3A_210 = vector.shape_cast %swap3A_209 : vector<1x16xf32> to vector<16xf32>
        %swap3A_211 = vector.shape_cast %add3A_207 : vector<16xf32> to vector<1x16xf32>
        tpu.vector_store %arg14[%swap3A, %swap3A_208], %swap3A_211 {strides = array<i32>} : memref<16x1024xf32, #tpu.memory_space<vmem>>, vector<1x16xf32>,
        %scan3A_212 = arith.constant 0 : i32
        %scan3A_213 = arith.constant 1 : i32
        %scan3A_214 = arith.addi %scan3A_193, %scan3A_213 : i32
        %mul3A_215 = arith.constant 16 : i32
        %mul3A_216 = arith.muli %scan3A_214, %mul3A_215 : i32
        %get3A_217 = arith.index_cast %scan3A_167 : i32 to index
        %get3A_218 = arith.index_cast %mul3A_216 : i32 to index
        %get3A_219 = tpu.vector_load %arg10[%get3A_217, %get3A_218] {strides = array<i32>} : memref<16x1024xf32, #tpu.memory_space<vmem>>, vector<1x16xf32>,
        %get3A_220 = vector.shape_cast %get3A_219 : vector<1x16xf32> to vector<16xf32>
        %mul3A_221 = arith.mulf %gather3A_175, %get3A_220 : vector<16xf32>
        %get3A_222 = arith.index_cast %scan3A_167 : i32 to index
        %get3A_223 = arith.index_cast %mul3A_216 : i32 to index
        %get3A_224 = tpu.vector_load %arg11[%get3A_222, %get3A_223] {strides = array<i32>} : memref<16x1024xf32, #tpu.memory_space<vmem>>, vector<1x16xf32>,
        %get3A_225 = vector.shape_cast %get3A_224 : vector<1x16xf32> to vector<16xf32>
        %mul3A_226 = arith.mulf %gather3A_185, %get3A_225 : vector<16xf32>
        %add3A_227 = arith.addf %mul3A_221, %mul3A_226 : vector<16xf32>
        %swap3A_228 = arith.index_cast %scan3A_167 : i32 to index
        %swap3A_229 = arith.index_cast %mul3A_216 : i32 to index
        %swap3A_230 = tpu.vector_load %arg14[%swap3A_228, %swap3A_229] {strides = array<i32>} : memref<16x1024xf32, #tpu.memory_space<vmem>>, vector<1x16xf32>,
        %swap3A_231 = vector.shape_cast %swap3A_230 : vector<1x16xf32> to vector<16xf32>
        %swap3A_232 = vector.shape_cast %add3A_227 : vector<16xf32> to vector<1x16xf32>
        tpu.vector_store %arg14[%swap3A_228, %swap3A_229], %swap3A_232 {strides = array<i32>} : memref<16x1024xf32, #tpu.memory_space<vmem>>, vector<1x16xf32>,
        %scan3A_233 = arith.constant 0 : i32
        %scan3A_234 = arith.constant 2 : i32
        %scan3A_235 = arith.addi %scan3A_193, %scan3A_234 : i32
        %mul3A_236 = arith.constant 16 : i32
        %mul3A_237 = arith.muli %scan3A_235, %mul3A_236 : i32
        %get3A_238 = arith.index_cast %scan3A_167 : i32 to index
        %get3A_239 = arith.index_cast %mul3A_237 : i32 to index
        %get3A_240 = tpu.vector_load %arg10[%get3A_238, %get3A_239] {strides = array<i32>} : memref<16x1024xf32, #tpu.memory_space<vmem>>, vector<1x16xf32>,
        %get3A_241 = vector.shape_cast %get3A_240 : vector<1x16xf32> to vector<16xf32>
        %mul3A_242 = arith.mulf %gather3A_175, %get3A_241 : vector<16xf32>
        %get3A_243 = arith.index_cast %scan3A_167 : i32 to index
        %get3A_244 = arith.index_cast %mul3A_237 : i32 to index
        %get3A_245 = tpu.vector_load %arg11[%get3A_243, %get3A_244] {strides = array<i32>} : memref<16x1024xf32, #tpu.memory_space<vmem>>, vector<1x16xf32>,
        %get3A_246 = vector.shape_cast %get3A_245 : vector<1x16xf32> to vector<16xf32>
        %mul3A_247 = arith.mulf %gather3A_185, %get3A_246 : vector<16xf32>
        %add3A_248 = arith.addf %mul3A_242, %mul3A_247 : vector<16xf32>
        %swap3A_249 = arith.index_cast %scan3A_167 : i32 to index
        %swap3A_250 = arith.index_cast %mul3A_237 : i32 to index
        %swap3A_251 = tpu.vector_load %arg14[%swap3A_249, %swap3A_250] {strides = array<i32>} : memref<16x1024xf32, #tpu.memory_space<vmem>>, vector<1x16xf32>,
        %swap3A_252 = vector.shape_cast %swap3A_251 : vector<1x16xf32> to vector<16xf32>
        %swap3A_253 = vector.shape_cast %add3A_248 : vector<16xf32> to vector<1x16xf32>
        tpu.vector_store %arg14[%swap3A_249, %swap3A_250], %swap3A_253 {strides = array<i32>} : memref<16x1024xf32, #tpu.memory_space<vmem>>, vector<1x16xf32>,
        %scan3A_254 = arith.constant 0 : i32
        %scan3A_255 = arith.constant 3 : i32
        %scan3A_256 = arith.addi %scan3A_193, %scan3A_255 : i32
        %mul3A_257 = arith.constant 16 : i32
        %mul3A_258 = arith.muli %scan3A_256, %mul3A_257 : i32
        %get3A_259 = arith.index_cast %scan3A_167 : i32 to index
        %get3A_260 = arith.index_cast %mul3A_258 : i32 to index
        %get3A_261 = tpu.vector_load %arg10[%get3A_259, %get3A_260] {strides = array<i32>} : memref<16x1024xf32, #tpu.memory_space<vmem>>, vector<1x16xf32>,
        %get3A_262 = vector.shape_cast %get3A_261 : vector<1x16xf32> to vector<16xf32>
        %mul3A_263 = arith.mulf %gather3A_175, %get3A_262 : vector<16xf32>
        %get3A_264 = arith.index_cast %scan3A_167 : i32 to index
        %get3A_265 = arith.index_cast %mul3A_258 : i32 to index
        %get3A_266 = tpu.vector_load %arg11[%get3A_264, %get3A_265] {strides = array<i32>} : memref<16x1024xf32, #tpu.memory_space<vmem>>, vector<1x16xf32>,
        %get3A_267 = vector.shape_cast %get3A_266 : vector<1x16xf32> to vector<16xf32>
        %mul3A_268 = arith.mulf %gather3A_185, %get3A_267 : vector<16xf32>
        %add3A_269 = arith.addf %mul3A_263, %mul3A_268 : vector<16xf32>
        %swap3A_270 = arith.index_cast %scan3A_167 : i32 to index
        %swap3A_271 = arith.index_cast %mul3A_258 : i32 to index
        %swap3A_272 = tpu.vector_load %arg14[%swap3A_270, %swap3A_271] {strides = array<i32>} : memref<16x1024xf32, #tpu.memory_space<vmem>>, vector<1x16xf32>,
        %swap3A_273 = vector.shape_cast %swap3A_272 : vector<1x16xf32> to vector<16xf32>
        %swap3A_274 = vector.shape_cast %add3A_269 : vector<16xf32> to vector<1x16xf32>
        tpu.vector_store %arg14[%swap3A_270, %swap3A_271], %swap3A_274 {strides = array<i32>} : memref<16x1024xf32, #tpu.memory_space<vmem>>, vector<1x16xf32>,
        %scan3A_275 = arith.constant 0 : i32
        scf.yield %scan3A_275 : i32
      }
      %scan3A_192 = arith.constant 64 : i32
      scf.yield %scan3A_191 : i32
    }
    %scan3A_123 = arith.constant 16 : i32
    %add3A_124 = arith.constant 32 : i32
    %add3A_125 = arith.addi %mul3A_2, %add3A_124 : i32
    %dma_start3A_126 = arith.constant 0 : i32
    %dma_start3A_127 = tpu.memref_slice %arg5[%add3A_125, %dma_start3A_126] : memref<2048x1024xf32, #tpu.memory_space<hbm>> -> memref<16x1024xf32, #tpu.memory_space<hbm>>
    %dma_start3A_128 = arith.constant 0 : i32
    %dma_start3A_129 = tpu.memref_slice %arg5[%add3A_125, %dma_start3A_128] : memref<2048x1024xf32, #tpu.memory_space<hbm>> -> memref<16x1024xf32, #tpu.memory_space<hbm>>
    tpu.enqueue_dma source(%arg14 : memref<16x1024xf32, #tpu.memory_space<vmem>>) target(%dma_start3A_129 : memref<16x1024xf32, #tpu.memory_space<hbm>>) target_semaphore(%arg20 : memref<!tpu.dma_semaphore, #tpu.memory_space<semaphore_mem>>)
    %dma_wait3A_130 = arith.constant 0 : i32
    %dma_wait3A_131 = arith.constant 0 : i32
    %dma_wait3A_132 = tpu.memref_slice %arg2[%dma_wait3A_130, %dma_wait3A_131] : memref<5888x1024xf32, #tpu.memory_space<hbm>> -> memref<5888x1024xf32, #tpu.memory_space<hbm>>
    tpu.wait_indirect_dma semaphore(%arg18 : memref<!tpu.dma_semaphore, #tpu.memory_space<semaphore_mem>>) src(%dma_wait3A_132 : memref<5888x1024xf32, #tpu.memory_space<hbm>>) dst(%arg12 : memref<16x1024xf32, #tpu.memory_space<vmem>>)
    %dma_wait3A_133 = arith.constant 0 : i32
    %dma_wait3A_134 = arith.constant 0 : i32
    %dma_wait3A_135 = tpu.memref_slice %arg2[%dma_wait3A_133, %dma_wait3A_134] : memref<5888x1024xf32, #tpu.memory_space<hbm>> -> memref<5888x1024xf32, #tpu.memory_space<hbm>>
    tpu.wait_indirect_dma semaphore(%arg19 : memref<!tpu.dma_semaphore, #tpu.memory_space<semaphore_mem>>) src(%dma_wait3A_135 : memref<5888x1024xf32, #tpu.memory_space<hbm>>) dst(%arg13 : memref<16x1024xf32, #tpu.memory_space<vmem>>)
    %dma_wait3A_136 = arith.constant 0 : i32
    %dma_wait3A_137 = tpu.memref_slice %arg5[%add3A_84, %dma_wait3A_136] : memref<2048x1024xf32, #tpu.memory_space<hbm>> -> memref<16x1024xf32, #tpu.memory_space<hbm>>
    %dma_wait3A_138 = arith.constant 0 : i32
    %dma_wait3A_139 = tpu.memref_slice %arg5[%add3A_84, %dma_wait3A_138] : memref<2048x1024xf32, #tpu.memory_space<hbm>> -> memref<16x1024xf32, #tpu.memory_space<hbm>>
    tpu.wait_dma2 semaphore(%arg21 : memref<!tpu.dma_semaphore, #tpu.memory_space<semaphore_mem>>) src(%arg15 : memref<16x1024xf32, #tpu.memory_space<vmem>>) dst(%dma_wait3A_139 : memref<16x1024xf32, #tpu.memory_space<hbm>>)
    %get3A_140 = arith.constant 48 : index
    %get3A_141 = tpu.vector_load %arg8[%get3A_140] {strides = array<i32>} : memref<64xf32, #tpu.memory_space<vmem>>, vector<16xf32>,
    %get3A_142 = vector.shape_cast %get3A_141 : vector<16xf32> to vector<16xf32>
    %get3A_143 = arith.constant 48 : index
    %get3A_144 = tpu.vector_load %arg9[%get3A_143] {strides = array<i32>} : memref<64xf32, #tpu.memory_space<vmem>>, vector<16xf32>,
    %get3A_145 = vector.shape_cast %get3A_144 : vector<16xf32> to vector<16xf32>
    %scan3A_146 = arith.constant 0 : i32
    %scan3A_147 = arith.constant 0 : i32
    %scan3A_148 = arith.constant 16 : i32
    %scan3A_149 = arith.addi %scan3A_147, %scan3A_148 : i32
    %scan3A_150 = arith.constant 1 : i32
    %scan3A_151 = scf.for %scan3A_167 = %scan3A_147 to %scan3A_149 step %scan3A_150 iter_args(%scan3A_168 = %scan3A_146) -> (i32)  : i32 {
      %broadcast_in_dim3A = vector.broadcast %scan3A_167 : i32 to vector<16xi32>
      %lt3A = arith.constant 0 : i32
      %lt3A_169 = vector.broadcast %lt3A : i32 to vector<16xi32>
      %lt3A_170 = arith.cmpi slt, %broadcast_in_dim3A, %lt3A_169 : vector<16xi32>
      %add3A_171 = arith.constant 16 : i32
      %add3A_172 = vector.broadcast %add3A_171 : i32 to vector<16xi32>
      %add3A_173 = arith.addi %broadcast_in_dim3A, %add3A_172 : vector<16xi32>
      %select_n3A = arith.select %lt3A_170, %add3A_173, %broadcast_in_dim3A : vector<16xi1>, vector<16xi32>
      %broadcast_in_dim3A_174 = vector.shape_cast %select_n3A : vector<16xi32> to vector<16x1xi32>
      %gather3A = vector.shape_cast %broadcast_in_dim3A_174 : vector<16x1xi32> to vector<16xi32>
      %gather3A_175 = tpu.dynamic_gather %get3A_142[%gather3A] in [0] : vector<16xf32>, vector<16xi32> -> vector<16xf32>
      %lt3A_176 = arith.constant 0 : i32
      %lt3A_177 = vector.broadcast %lt3A_176 : i32 to vector<16xi32>
      %lt3A_178 = arith.cmpi slt, %broadcast_in_dim3A, %lt3A_177 : vector<16xi32>
      %add3A_179 = arith.constant 16 : i32
      %add3A_180 = vector.broadcast %add3A_179 : i32 to vector<16xi32>
      %add3A_181 = arith.addi %broadcast_in_dim3A, %add3A_180 : vector<16xi32>
      %select_n3A_182 = arith.select %lt3A_178, %add3A_181, %broadcast_in_dim3A : vector<16xi1>, vector<16xi32>
      %broadcast_in_dim3A_183 = vector.shape_cast %select_n3A_182 : vector<16xi32> to vector<16x1xi32>
      %gather3A_184 = vector.shape_cast %broadcast_in_dim3A_183 : vector<16x1xi32> to vector<16xi32>
      %gather3A_185 = tpu.dynamic_gather %get3A_145[%gather3A_184] in [0] : vector<16xf32>, vector<16xi32> -> vector<16xf32>
      %scan3A_186 = arith.constant 0 : i32
      %scan3A_187 = arith.constant 0 : i32
      %scan3A_188 = arith.constant 64 : i32
      %scan3A_189 = arith.addi %scan3A_187, %scan3A_188 : i32
      %scan3A_190 = arith.constant 4 : i32
      %scan3A_191 = scf.for %scan3A_193 = %scan3A_187 to %scan3A_189 step %scan3A_190 iter_args(%scan3A_194 = %scan3A_186) -> (i32)  : i32 {
        %mul3A_195 = arith.constant 16 : i32
        %mul3A_196 = arith.muli %scan3A_193, %mul3A_195 : i32
        %get3A_197 = arith.index_cast %scan3A_167 : i32 to index
        %get3A_198 = arith.index_cast %mul3A_196 : i32 to index
        %get3A_199 = tpu.vector_load %arg12[%get3A_197, %get3A_198] {strides = array<i32>} : memref<16x1024xf32, #tpu.memory_space<vmem>>, vector<1x16xf32>,
        %get3A_200 = vector.shape_cast %get3A_199 : vector<1x16xf32> to vector<16xf32>
        %mul3A_201 = arith.mulf %gather3A_175, %get3A_200 : vector<16xf32>
        %get3A_202 = arith.index_cast %scan3A_167 : i32 to index
        %get3A_203 = arith.index_cast %mul3A_196 : i32 to index
        %get3A_204 = tpu.vector_load %arg13[%get3A_202, %get3A_203] {strides = array<i32>} : memref<16x1024xf32, #tpu.memory_space<vmem>>, vector<1x16xf32>,
        %get3A_205 = vector.shape_cast %get3A_204 : vector<1x16xf32> to vector<16xf32>
        %mul3A_206 = arith.mulf %gather3A_185, %get3A_205 : vector<16xf32>
        %add3A_207 = arith.addf %mul3A_201, %mul3A_206 : vector<16xf32>
        %swap3A = arith.index_cast %scan3A_167 : i32 to index
        %swap3A_208 = arith.index_cast %mul3A_196 : i32 to index
        %swap3A_209 = tpu.vector_load %arg15[%swap3A, %swap3A_208] {strides = array<i32>} : memref<16x1024xf32, #tpu.memory_space<vmem>>, vector<1x16xf32>,
        %swap3A_210 = vector.shape_cast %swap3A_209 : vector<1x16xf32> to vector<16xf32>
        %swap3A_211 = vector.shape_cast %add3A_207 : vector<16xf32> to vector<1x16xf32>
        tpu.vector_store %arg15[%swap3A, %swap3A_208], %swap3A_211 {strides = array<i32>} : memref<16x1024xf32, #tpu.memory_space<vmem>>, vector<1x16xf32>,
        %scan3A_212 = arith.constant 0 : i32
        %scan3A_213 = arith.constant 1 : i32
        %scan3A_214 = arith.addi %scan3A_193, %scan3A_213 : i32
        %mul3A_215 = arith.constant 16 : i32
        %mul3A_216 = arith.muli %scan3A_214, %mul3A_215 : i32
        %get3A_217 = arith.index_cast %scan3A_167 : i32 to index
        %get3A_218 = arith.index_cast %mul3A_216 : i32 to index
        %get3A_219 = tpu.vector_load %arg12[%get3A_217, %get3A_218] {strides = array<i32>} : memref<16x1024xf32, #tpu.memory_space<vmem>>, vector<1x16xf32>,
        %get3A_220 = vector.shape_cast %get3A_219 : vector<1x16xf32> to vector<16xf32>
        %mul3A_221 = arith.mulf %gather3A_175, %get3A_220 : vector<16xf32>
        %get3A_222 = arith.index_cast %scan3A_167 : i32 to index
        %get3A_223 = arith.index_cast %mul3A_216 : i32 to index
        %get3A_224 = tpu.vector_load %arg13[%get3A_222, %get3A_223] {strides = array<i32>} : memref<16x1024xf32, #tpu.memory_space<vmem>>, vector<1x16xf32>,
        %get3A_225 = vector.shape_cast %get3A_224 : vector<1x16xf32> to vector<16xf32>
        %mul3A_226 = arith.mulf %gather3A_185, %get3A_225 : vector<16xf32>
        %add3A_227 = arith.addf %mul3A_221, %mul3A_226 : vector<16xf32>
        %swap3A_228 = arith.index_cast %scan3A_167 : i32 to index
        %swap3A_229 = arith.index_cast %mul3A_216 : i32 to index
        %swap3A_230 = tpu.vector_load %arg15[%swap3A_228, %swap3A_229] {strides = array<i32>} : memref<16x1024xf32, #tpu.memory_space<vmem>>, vector<1x16xf32>,
        %swap3A_231 = vector.shape_cast %swap3A_230 : vector<1x16xf32> to vector<16xf32>
        %swap3A_232 = vector.shape_cast %add3A_227 : vector<16xf32> to vector<1x16xf32>
        tpu.vector_store %arg15[%swap3A_228, %swap3A_229], %swap3A_232 {strides = array<i32>} : memref<16x1024xf32, #tpu.memory_space<vmem>>, vector<1x16xf32>,
        %scan3A_233 = arith.constant 0 : i32
        %scan3A_234 = arith.constant 2 : i32
        %scan3A_235 = arith.addi %scan3A_193, %scan3A_234 : i32
        %mul3A_236 = arith.constant 16 : i32
        %mul3A_237 = arith.muli %scan3A_235, %mul3A_236 : i32
        %get3A_238 = arith.index_cast %scan3A_167 : i32 to index
        %get3A_239 = arith.index_cast %mul3A_237 : i32 to index
        %get3A_240 = tpu.vector_load %arg12[%get3A_238, %get3A_239] {strides = array<i32>} : memref<16x1024xf32, #tpu.memory_space<vmem>>, vector<1x16xf32>,
        %get3A_241 = vector.shape_cast %get3A_240 : vector<1x16xf32> to vector<16xf32>
        %mul3A_242 = arith.mulf %gather3A_175, %get3A_241 : vector<16xf32>
        %get3A_243 = arith.index_cast %scan3A_167 : i32 to index
        %get3A_244 = arith.index_cast %mul3A_237 : i32 to index
        %get3A_245 = tpu.vector_load %arg13[%get3A_243, %get3A_244] {strides = array<i32>} : memref<16x1024xf32, #tpu.memory_space<vmem>>, vector<1x16xf32>,
        %get3A_246 = vector.shape_cast %get3A_245 : vector<1x16xf32> to vector<16xf32>
        %mul3A_247 = arith.mulf %gather3A_185, %get3A_246 : vector<16xf32>
        %add3A_248 = arith.addf %mul3A_242, %mul3A_247 : vector<16xf32>
        %swap3A_249 = arith.index_cast %scan3A_167 : i32 to index
        %swap3A_250 = arith.index_cast %mul3A_237 : i32 to index
        %swap3A_251 = tpu.vector_load %arg15[%swap3A_249, %swap3A_250] {strides = array<i32>} : memref<16x1024xf32, #tpu.memory_space<vmem>>, vector<1x16xf32>,
        %swap3A_252 = vector.shape_cast %swap3A_251 : vector<1x16xf32> to vector<16xf32>
        %swap3A_253 = vector.shape_cast %add3A_248 : vector<16xf32> to vector<1x16xf32>
        tpu.vector_store %arg15[%swap3A_249, %swap3A_250], %swap3A_253 {strides = array<i32>} : memref<16x1024xf32, #tpu.memory_space<vmem>>, vector<1x16xf32>,
        %scan3A_254 = arith.constant 0 : i32
        %scan3A_255 = arith.constant 3 : i32
        %scan3A_256 = arith.addi %scan3A_193, %scan3A_255 : i32
        %mul3A_257 = arith.constant 16 : i32
        %mul3A_258 = arith.muli %scan3A_256, %mul3A_257 : i32
        %get3A_259 = arith.index_cast %scan3A_167 : i32 to index
        %get3A_260 = arith.index_cast %mul3A_258 : i32 to index
        %get3A_261 = tpu.vector_load %arg12[%get3A_259, %get3A_260] {strides = array<i32>} : memref<16x1024xf32, #tpu.memory_space<vmem>>, vector<1x16xf32>,
        %get3A_262 = vector.shape_cast %get3A_261 : vector<1x16xf32> to vector<16xf32>
        %mul3A_263 = arith.mulf %gather3A_175, %get3A_262 : vector<16xf32>
        %get3A_264 = arith.index_cast %scan3A_167 : i32 to index
        %get3A_265 = arith.index_cast %mul3A_258 : i32 to index
        %get3A_266 = tpu.vector_load %arg13[%get3A_264, %get3A_265] {strides = array<i32>} : memref<16x1024xf32, #tpu.memory_space<vmem>>, vector<1x16xf32>,
        %get3A_267 = vector.shape_cast %get3A_266 : vector<1x16xf32> to vector<16xf32>
        %mul3A_268 = arith.mulf %gather3A_185, %get3A_267 : vector<16xf32>
        %add3A_269 = arith.addf %mul3A_263, %mul3A_268 : vector<16xf32>
        %swap3A_270 = arith.index_cast %scan3A_167 : i32 to index
        %swap3A_271 = arith.index_cast %mul3A_258 : i32 to index
        %swap3A_272 = tpu.vector_load %arg15[%swap3A_270, %swap3A_271] {strides = array<i32>} : memref<16x1024xf32, #tpu.memory_space<vmem>>, vector<1x16xf32>,
        %swap3A_273 = vector.shape_cast %swap3A_272 : vector<1x16xf32> to vector<16xf32>
        %swap3A_274 = vector.shape_cast %add3A_269 : vector<16xf32> to vector<1x16xf32>
        tpu.vector_store %arg15[%swap3A_270, %swap3A_271], %swap3A_274 {strides = array<i32>} : memref<16x1024xf32, #tpu.memory_space<vmem>>, vector<1x16xf32>,
        %scan3A_275 = arith.constant 0 : i32
        scf.yield %scan3A_275 : i32
      }
      %scan3A_192 = arith.constant 64 : i32
      scf.yield %scan3A_191 : i32
    }
    %scan3A_152 = arith.constant 16 : i32
    %add3A_153 = arith.constant 48 : i32
    %add3A_154 = arith.addi %mul3A_2, %add3A_153 : i32
    %dma_start3A_155 = arith.constant 0 : i32
    %dma_start3A_156 = tpu.memref_slice %arg5[%add3A_154, %dma_start3A_155] : memref<2048x1024xf32, #tpu.memory_space<hbm>> -> memref<16x1024xf32, #tpu.memory_space<hbm>>
    %dma_start3A_157 = arith.constant 0 : i32
    %dma_start3A_158 = tpu.memref_slice %arg5[%add3A_154, %dma_start3A_157] : memref<2048x1024xf32, #tpu.memory_space<hbm>> -> memref<16x1024xf32, #tpu.memory_space<hbm>>
    tpu.enqueue_dma source(%arg15 : memref<16x1024xf32, #tpu.memory_space<vmem>>) target(%dma_start3A_158 : memref<16x1024xf32, #tpu.memory_space<hbm>>) target_semaphore(%arg21 : memref<!tpu.dma_semaphore, #tpu.memory_space<semaphore_mem>>)
    %dma_wait3A_159 = arith.constant 0 : i32
    %dma_wait3A_160 = tpu.memref_slice %arg5[%add3A_125, %dma_wait3A_159] : memref<2048x1024xf32, #tpu.memory_space<hbm>> -> memref<16x1024xf32, #tpu.memory_space<hbm>>
    %dma_wait3A_161 = arith.constant 0 : i32
    %dma_wait3A_162 = tpu.memref_slice %arg5[%add3A_125, %dma_wait3A_161] : memref<2048x1024xf32, #tpu.memory_space<hbm>> -> memref<16x1024xf32, #tpu.memory_space<hbm>>
    tpu.wait_dma2 semaphore(%arg20 : memref<!tpu.dma_semaphore, #tpu.memory_space<semaphore_mem>>) src(%arg14 : memref<16x1024xf32, #tpu.memory_space<vmem>>) dst(%dma_wait3A_162 : memref<16x1024xf32, #tpu.memory_space<hbm>>)
    %dma_wait3A_163 = arith.constant 0 : i32
    %dma_wait3A_164 = tpu.memref_slice %arg5[%add3A_154, %dma_wait3A_163] : memref<2048x1024xf32, #tpu.memory_space<hbm>> -> memref<16x1024xf32, #tpu.memory_space<hbm>>
    %dma_wait3A_165 = arith.constant 0 : i32
    %dma_wait3A_166 = tpu.memref_slice %arg5[%add3A_154, %dma_wait3A_165] : memref<2048x1024xf32, #tpu.memory_space<hbm>> -> memref<16x1024xf32, #tpu.memory_space<hbm>>
    tpu.wait_dma2 semaphore(%arg21 : memref<!tpu.dma_semaphore, #tpu.memory_space<semaphore_mem>>) src(%arg15 : memref<16x1024xf32, #tpu.memory_space<vmem>>) dst(%dma_wait3A_166 : memref<16x1024xf32, #tpu.memory_space<hbm>>)
    return
  }
}

module attributes {stable_mosaic.version = 14 : i64} {
  func.func @_ffn_body(%arg0: i32, %arg1: memref<23xi32, #tpu.memory_space<smem>>, %arg2: memref<256x1024xf32, #tpu.memory_space<vmem>>, %arg3: memref<1x1024x1024xf32, #tpu.memory_space<vmem>>, %arg4: memref<1x1024x512xf32, #tpu.memory_space<vmem>>, %arg5: memref<256x1024xf32, #tpu.memory_space<vmem>>) attributes {dimension_semantics = [#tpu.dimension_semantics<arbitrary>], iteration_bounds = array<i64: 23>, scalar_prefetch = 1 : i64, scratch_operands = 0 : i64, tpu.core_type = #tpu.core_type<tc>, window_params = [{transform_indices = @transform_0, window_bounds = array<i64: 256, 1024>}, {transform_indices = @transform_1, window_bounds = array<i64: 1, 1024, 1024>}, {transform_indices = @transform_2, window_bounds = array<i64: 1, 1024, 512>}, {transform_indices = @transform_3, window_bounds = array<i64: 256, 1024>}]} {
    %get3A = arith.constant 0 : index
    %get3A_0 = arith.constant 0 : index
    %get3A_1 = vector.load %arg2[%get3A, %get3A_0] : memref<256x1024xf32, #tpu.memory_space<vmem>>, vector<256x1024xf32>
    %get3A_2 = arith.constant 0 : index
    %get3A_3 = arith.constant 0 : index
    %get3A_4 = arith.constant 0 : index
    %get3A_5 = vector.load %arg3[%get3A_2, %get3A_3, %get3A_4] : memref<1x1024x1024xf32, #tpu.memory_space<vmem>>, vector<1x1024x1024xf32>
    %get3A_6 = vector.shape_cast %get3A_5 : vector<1x1024x1024xf32> to vector<1024x1024xf32>
    %dot_general3A = arith.constant dense<0.000000e+00> : vector<256x1024xf32>
    %dot_general3A_7 = tpu.matmul %get3A_1, %get3A_6, %dot_general3A {dimension_numbers = #tpu.dot_dimension_numbers<[1], [1], [0], [0], [0, 0, 1, 0], [], []>, transpose_lhs_hint = false} : vector<256x1024xf32>, vector<1024x1024xf32>, vector<256x1024xf32> -> vector<256x1024xf32>
    %slice3A = vector.extract_strided_slice %dot_general3A_7 {offsets = [0, 0], sizes = [256, 512], strides = [1, 1]} : vector<256x1024xf32> to vector<256x512xf32>
    %slice3A_8 = vector.extract_strided_slice %dot_general3A_7 {offsets = [0, 512], sizes = [256, 512], strides = [1, 1]} : vector<256x1024xf32> to vector<256x512xf32>
    %logistic3A = arith.negf %slice3A : vector<256x512xf32>
    %logistic3A_9 = math.exp %logistic3A : vector<256x512xf32>
    %logistic3A_10 = arith.constant 1.000000e+00 : f32
    %logistic3A_11 = vector.broadcast %logistic3A_10 : f32 to vector<256x512xf32>
    %logistic3A_12 = arith.addf %logistic3A_11, %logistic3A_9 : vector<256x512xf32>
    %logistic3A_13 = arith.divf %logistic3A_11, %logistic3A_12 : vector<256x512xf32>
    %mul3A = arith.mulf %slice3A, %logistic3A_13 : vector<256x512xf32>
    %mul3A_14 = arith.mulf %mul3A, %slice3A_8 : vector<256x512xf32>
    %get3A_15 = arith.constant 0 : index
    %get3A_16 = arith.constant 0 : index
    %get3A_17 = arith.constant 0 : index
    %get3A_18 = vector.load %arg4[%get3A_15, %get3A_16, %get3A_17] : memref<1x1024x512xf32, #tpu.memory_space<vmem>>, vector<1x1024x512xf32>
    %get3A_19 = vector.shape_cast %get3A_18 : vector<1x1024x512xf32> to vector<1024x512xf32>
    %dot_general3A_20 = arith.constant dense<0.000000e+00> : vector<256x1024xf32>
    %dot_general3A_21 = tpu.matmul %mul3A_14, %get3A_19, %dot_general3A_20 {dimension_numbers = #tpu.dot_dimension_numbers<[1], [1], [0], [0], [0, 0, 1, 0], [], []>, transpose_lhs_hint = false} : vector<256x512xf32>, vector<1024x512xf32>, vector<256x1024xf32> -> vector<256x1024xf32>
    %swap3A = arith.constant 0 : index
    %swap3A_22 = arith.constant 0 : index
    %swap3A_23 = vector.load %arg5[%swap3A, %swap3A_22] : memref<256x1024xf32, #tpu.memory_space<vmem>>, vector<256x1024xf32>
    tpu.vector_store %arg5[%swap3A, %swap3A_22], %dot_general3A_21 {strides = array<i32>} : memref<256x1024xf32, #tpu.memory_space<vmem>>, vector<256x1024xf32>,
    return
  }
  func.func @transform_0(%arg0: i32, %arg1: memref<23xi32, #tpu.memory_space<smem>>) -> (i32, i32) {
    %c0_i32 = arith.constant 0 : i32
    %c0_i32_0 = arith.constant 0 : i32
    return %arg0, %c0_i32 : i32, i32
  }
  func.func @transform_1(%arg0: i32, %arg1: memref<23xi32, #tpu.memory_space<smem>>) -> (i32, i32, i32) {
    %get3A = arith.index_cast %arg0 : i32 to index
    %get3A_0 = memref.load %arg1[%get3A] : memref<23xi32, #tpu.memory_space<smem>>
    %c0_i32 = arith.constant 0 : i32
    %c0_i32_1 = arith.constant 0 : i32
    %c0_i32_2 = arith.constant 0 : i32
    return %get3A_0, %c0_i32, %c0_i32_1 : i32, i32, i32
  }
  func.func @transform_2(%arg0: i32, %arg1: memref<23xi32, #tpu.memory_space<smem>>) -> (i32, i32, i32) {
    %get3A = arith.index_cast %arg0 : i32 to index
    %get3A_0 = memref.load %arg1[%get3A] : memref<23xi32, #tpu.memory_space<smem>>
    %c0_i32 = arith.constant 0 : i32
    %c0_i32_1 = arith.constant 0 : i32
    %c0_i32_2 = arith.constant 0 : i32
    return %get3A_0, %c0_i32, %c0_i32_1 : i32, i32, i32
  }
  func.func @transform_3(%arg0: i32, %arg1: memref<23xi32, #tpu.memory_space<smem>>) -> (i32, i32) {
    %c0_i32 = arith.constant 0 : i32
    %c0_i32_0 = arith.constant 0 : i32
    return %arg0, %c0_i32 : i32, i32
  }
}

module attributes {stable_mosaic.version = 14 : i64} {
  func.func @_router_body(%arg0: memref<2048x1024xf32, #tpu.memory_space<vmem>>, %arg1: memref<8x1024xf32, #tpu.memory_space<vmem>>, %arg2: memref<4096x1xi32, #tpu.memory_space<vmem>>, %arg3: memref<4096x1xf32, #tpu.memory_space<vmem>>, %arg4: memref<1x128xi32, #tpu.memory_space<vmem>>) attributes {dimension_semantics = [], scalar_prefetch = 0 : i64, scratch_operands = 0 : i64, tpu.core_type = #tpu.core_type<tc>} {
    %get3A = arith.constant 0 : index
    %get3A_0 = arith.constant 0 : index
    %get3A_1 = vector.load %arg0[%get3A, %get3A_0] : memref<2048x1024xf32, #tpu.memory_space<vmem>>, vector<2048x1024xf32>
    %get3A_2 = arith.constant 0 : index
    %get3A_3 = arith.constant 0 : index
    %get3A_4 = vector.load %arg1[%get3A_2, %get3A_3] : memref<8x1024xf32, #tpu.memory_space<vmem>>, vector<8x1024xf32>
    %dot_general3A = arith.constant dense<0.000000e+00> : vector<2048x8xf32>
    %dot_general3A_5 = tpu.matmul %get3A_1, %get3A_4, %dot_general3A {dimension_numbers = #tpu.dot_dimension_numbers<[1], [1], [0], [0], [0, 0, 1, 0], [], []>, transpose_lhs_hint = false} : vector<2048x1024xf32>, vector<8x1024xf32>, vector<2048x8xf32> -> vector<2048x8xf32>
    %iota3A = tpu.iota {dimensions = array<i32: 1>} : vector<2048x8xi32>
    %reduce_max3A = arith.constant dense<0xFF800000> : vector<2048xf32>
    %reduce_max3A_6 = vector.multi_reduction <maximumf>, %dot_general3A_5, %reduce_max3A [1] : vector<2048x8xf32> to vector<2048xf32>
    %broadcast_in_dim3A = vector.shape_cast %reduce_max3A_6 : vector<2048xf32> to vector<2048x1xf32>
    %eq3A = vector.broadcast %broadcast_in_dim3A : vector<2048x1xf32> to vector<2048x8xf32>
    %eq3A_7 = arith.cmpf oeq, %dot_general3A_5, %eq3A : vector<2048x8xf32>
    %jit3A = arith.constant 8 : i32
    %broadcast_in_dim3A_8 = vector.broadcast %jit3A : i32 to vector<2048x8xi32>
    %select_n3A = arith.select %eq3A_7, %iota3A, %broadcast_in_dim3A_8 : vector<2048x8xi1>, vector<2048x8xi32>
    %reduce_min3A = arith.constant dense<2147483647> : vector<2048xi32>
    %reduce_min3A_9 = vector.multi_reduction <minsi>, %select_n3A, %reduce_min3A [1] : vector<2048x8xi32> to vector<2048xi32>
    %broadcast_in_dim3A_10 = vector.shape_cast %reduce_min3A_9 : vector<2048xi32> to vector<2048x1xi32>
    %eq3A_11 = vector.broadcast %broadcast_in_dim3A_10 : vector<2048x1xi32> to vector<2048x8xi32>
    %eq3A_12 = arith.cmpi eq, %iota3A, %eq3A_11 : vector<2048x8xi32>
    %neg3A = arith.constant 0.000000e+00 : f32
    %neg3A_13 = arith.constant 3.000000e+38 : f32
    %neg3A_14 = arith.subf %neg3A, %neg3A_13 : f32
    %broadcast_in_dim3A_15 = vector.broadcast %neg3A_14 : f32 to vector<2048x8xf32>
    %select_n3A_16 = arith.select %eq3A_12, %broadcast_in_dim3A_15, %dot_general3A_5 : vector<2048x8xi1>, vector<2048x8xf32>
    %reduce_max3A_17 = arith.constant dense<0xFF800000> : vector<2048xf32>
    %reduce_max3A_18 = vector.multi_reduction <maximumf>, %select_n3A_16, %reduce_max3A_17 [1] : vector<2048x8xf32> to vector<2048xf32>
    %broadcast_in_dim3A_19 = vector.shape_cast %reduce_max3A_18 : vector<2048xf32> to vector<2048x1xf32>
    %eq3A_20 = vector.broadcast %broadcast_in_dim3A_19 : vector<2048x1xf32> to vector<2048x8xf32>
    %eq3A_21 = arith.cmpf oeq, %select_n3A_16, %eq3A_20 : vector<2048x8xf32>
    %jit3A_22 = arith.constant 8 : i32
    %broadcast_in_dim3A_23 = vector.broadcast %jit3A_22 : i32 to vector<2048x8xi32>
    %select_n3A_24 = arith.select %eq3A_21, %iota3A, %broadcast_in_dim3A_23 : vector<2048x8xi1>, vector<2048x8xi32>
    %reduce_min3A_25 = arith.constant dense<2147483647> : vector<2048xi32>
    %reduce_min3A_26 = vector.multi_reduction <minsi>, %select_n3A_24, %reduce_min3A_25 [1] : vector<2048x8xi32> to vector<2048xi32>
    %broadcast_in_dim3A_27 = vector.shape_cast %reduce_min3A_26 : vector<2048xi32> to vector<2048x1xi32>
    %sub3A = arith.subf %broadcast_in_dim3A, %broadcast_in_dim3A_19 : vector<2048x1xf32>
    %logistic3A = arith.negf %sub3A : vector<2048x1xf32>
    %logistic3A_28 = math.exp %logistic3A : vector<2048x1xf32>
    %logistic3A_29 = arith.constant 1.000000e+00 : f32
    %logistic3A_30 = vector.broadcast %logistic3A_29 : f32 to vector<2048x1xf32>
    %logistic3A_31 = arith.addf %logistic3A_30, %logistic3A_28 : vector<2048x1xf32>
    %logistic3A_32 = arith.divf %logistic3A_30, %logistic3A_31 : vector<2048x1xf32>
    %sub3A_33 = arith.constant 1.000000e+00 : f32
    %sub3A_34 = vector.broadcast %sub3A_33 : f32 to vector<2048x1xf32>
    %sub3A_35 = arith.subf %sub3A_34, %logistic3A_32 : vector<2048x1xf32>
    %eq3A_36 = vector.broadcast %broadcast_in_dim3A_10 : vector<2048x1xi32> to vector<2048x8xi32>
    %eq3A_37 = arith.cmpi eq, %iota3A, %eq3A_36 : vector<2048x8xi32>
    %convert_element_type3A = arith.extui %eq3A_37 : vector<2048x8xi1> to vector<2048x8xi32>
    %convert_element_type3A_38 = arith.sitofp %convert_element_type3A : vector<2048x8xi32> to vector<2048x8xf32>
    %eq3A_39 = vector.broadcast %broadcast_in_dim3A_27 : vector<2048x1xi32> to vector<2048x8xi32>
    %eq3A_40 = arith.cmpi eq, %iota3A, %eq3A_39 : vector<2048x8xi32>
    %convert_element_type3A_41 = arith.extui %eq3A_40 : vector<2048x8xi1> to vector<2048x8xi32>
    %convert_element_type3A_42 = arith.sitofp %convert_element_type3A_41 : vector<2048x8xi32> to vector<2048x8xf32>
    %concatenate3A = tpu.concatenate %convert_element_type3A_38, %convert_element_type3A_42 in 0 : vector<2048x8xf32>, vector<2048x8xf32> -> vector<4096x8xf32>
    %broadcast_in_dim3A_43 = arith.constant 0.000000e+00 : f32
    %broadcast_in_dim3A_44 = vector.broadcast %broadcast_in_dim3A_43 : f32 to vector<1x8xf32>
    %slice3A = vector.extract_strided_slice %concatenate3A {offsets = [0, 0], sizes = [4095, 8], strides = [1, 1]} : vector<4096x8xf32> to vector<4095x8xf32>
    %concatenate3A_45 = tpu.concatenate %broadcast_in_dim3A_44, %slice3A in 0 : vector<1x8xf32>, vector<4095x8xf32> -> vector<4096x8xf32>
    %add3A = arith.addf %concatenate3A, %concatenate3A_45 : vector<4096x8xf32>
    %broadcast_in_dim3A_46 = arith.constant 0.000000e+00 : f32
    %broadcast_in_dim3A_47 = vector.broadcast %broadcast_in_dim3A_46 : f32 to vector<2x8xf32>
    %slice3A_48 = vector.extract_strided_slice %add3A {offsets = [0, 0], sizes = [4094, 8], strides = [1, 1]} : vector<4096x8xf32> to vector<4094x8xf32>
    %concatenate3A_49 = tpu.concatenate %broadcast_in_dim3A_47, %slice3A_48 in 0 : vector<2x8xf32>, vector<4094x8xf32> -> vector<4096x8xf32>
    %add3A_50 = arith.addf %add3A, %concatenate3A_49 : vector<4096x8xf32>
    %broadcast_in_dim3A_51 = arith.constant 0.000000e+00 : f32
    %broadcast_in_dim3A_52 = vector.broadcast %broadcast_in_dim3A_51 : f32 to vector<4x8xf32>
    %slice3A_53 = vector.extract_strided_slice %add3A_50 {offsets = [0, 0], sizes = [4092, 8], strides = [1, 1]} : vector<4096x8xf32> to vector<4092x8xf32>
    %concatenate3A_54 = tpu.concatenate %broadcast_in_dim3A_52, %slice3A_53 in 0 : vector<4x8xf32>, vector<4092x8xf32> -> vector<4096x8xf32>
    %add3A_55 = arith.addf %add3A_50, %concatenate3A_54 : vector<4096x8xf32>
    %broadcast_in_dim3A_56 = arith.constant 0.000000e+00 : f32
    %broadcast_in_dim3A_57 = vector.broadcast %broadcast_in_dim3A_56 : f32 to vector<8x8xf32>
    %slice3A_58 = vector.extract_strided_slice %add3A_55 {offsets = [0, 0], sizes = [4088, 8], strides = [1, 1]} : vector<4096x8xf32> to vector<4088x8xf32>
    %concatenate3A_59 = tpu.concatenate %broadcast_in_dim3A_57, %slice3A_58 in 0 : vector<8x8xf32>, vector<4088x8xf32> -> vector<4096x8xf32>
    %add3A_60 = arith.addf %add3A_55, %concatenate3A_59 : vector<4096x8xf32>
    %broadcast_in_dim3A_61 = arith.constant 0.000000e+00 : f32
    %broadcast_in_dim3A_62 = vector.broadcast %broadcast_in_dim3A_61 : f32 to vector<16x8xf32>
    %slice3A_63 = vector.extract_strided_slice %add3A_60 {offsets = [0, 0], sizes = [4080, 8], strides = [1, 1]} : vector<4096x8xf32> to vector<4080x8xf32>
    %concatenate3A_64 = tpu.concatenate %broadcast_in_dim3A_62, %slice3A_63 in 0 : vector<16x8xf32>, vector<4080x8xf32> -> vector<4096x8xf32>
    %add3A_65 = arith.addf %add3A_60, %concatenate3A_64 : vector<4096x8xf32>
    %broadcast_in_dim3A_66 = arith.constant 0.000000e+00 : f32
    %broadcast_in_dim3A_67 = vector.broadcast %broadcast_in_dim3A_66 : f32 to vector<32x8xf32>
    %slice3A_68 = vector.extract_strided_slice %add3A_65 {offsets = [0, 0], sizes = [4064, 8], strides = [1, 1]} : vector<4096x8xf32> to vector<4064x8xf32>
    %concatenate3A_69 = tpu.concatenate %broadcast_in_dim3A_67, %slice3A_68 in 0 : vector<32x8xf32>, vector<4064x8xf32> -> vector<4096x8xf32>
    %add3A_70 = arith.addf %add3A_65, %concatenate3A_69 : vector<4096x8xf32>
    %broadcast_in_dim3A_71 = arith.constant 0.000000e+00 : f32
    %broadcast_in_dim3A_72 = vector.broadcast %broadcast_in_dim3A_71 : f32 to vector<64x8xf32>
    %slice3A_73 = vector.extract_strided_slice %add3A_70 {offsets = [0, 0], sizes = [4032, 8], strides = [1, 1]} : vector<4096x8xf32> to vector<4032x8xf32>
    %concatenate3A_74 = tpu.concatenate %broadcast_in_dim3A_72, %slice3A_73 in 0 : vector<64x8xf32>, vector<4032x8xf32> -> vector<4096x8xf32>
    %add3A_75 = arith.addf %add3A_70, %concatenate3A_74 : vector<4096x8xf32>
    %broadcast_in_dim3A_76 = arith.constant 0.000000e+00 : f32
    %broadcast_in_dim3A_77 = vector.broadcast %broadcast_in_dim3A_76 : f32 to vector<128x8xf32>
    %slice3A_78 = vector.extract_strided_slice %add3A_75 {offsets = [0, 0], sizes = [3968, 8], strides = [1, 1]} : vector<4096x8xf32> to vector<3968x8xf32>
    %concatenate3A_79 = tpu.concatenate %broadcast_in_dim3A_77, %slice3A_78 in 0 : vector<128x8xf32>, vector<3968x8xf32> -> vector<4096x8xf32>
    %add3A_80 = arith.addf %add3A_75, %concatenate3A_79 : vector<4096x8xf32>
    %broadcast_in_dim3A_81 = arith.constant 0.000000e+00 : f32
    %broadcast_in_dim3A_82 = vector.broadcast %broadcast_in_dim3A_81 : f32 to vector<256x8xf32>
    %slice3A_83 = vector.extract_strided_slice %add3A_80 {offsets = [0, 0], sizes = [3840, 8], strides = [1, 1]} : vector<4096x8xf32> to vector<3840x8xf32>
    %concatenate3A_84 = tpu.concatenate %broadcast_in_dim3A_82, %slice3A_83 in 0 : vector<256x8xf32>, vector<3840x8xf32> -> vector<4096x8xf32>
    %add3A_85 = arith.addf %add3A_80, %concatenate3A_84 : vector<4096x8xf32>
    %broadcast_in_dim3A_86 = arith.constant 0.000000e+00 : f32
    %broadcast_in_dim3A_87 = vector.broadcast %broadcast_in_dim3A_86 : f32 to vector<512x8xf32>
    %slice3A_88 = vector.extract_strided_slice %add3A_85 {offsets = [0, 0], sizes = [3584, 8], strides = [1, 1]} : vector<4096x8xf32> to vector<3584x8xf32>
    %concatenate3A_89 = tpu.concatenate %broadcast_in_dim3A_87, %slice3A_88 in 0 : vector<512x8xf32>, vector<3584x8xf32> -> vector<4096x8xf32>
    %add3A_90 = arith.addf %add3A_85, %concatenate3A_89 : vector<4096x8xf32>
    %broadcast_in_dim3A_91 = arith.constant 0.000000e+00 : f32
    %broadcast_in_dim3A_92 = vector.broadcast %broadcast_in_dim3A_91 : f32 to vector<1024x8xf32>
    %slice3A_93 = vector.extract_strided_slice %add3A_90 {offsets = [0, 0], sizes = [3072, 8], strides = [1, 1]} : vector<4096x8xf32> to vector<3072x8xf32>
    %concatenate3A_94 = tpu.concatenate %broadcast_in_dim3A_92, %slice3A_93 in 0 : vector<1024x8xf32>, vector<3072x8xf32> -> vector<4096x8xf32>
    %add3A_95 = arith.addf %add3A_90, %concatenate3A_94 : vector<4096x8xf32>
    %broadcast_in_dim3A_96 = arith.constant 0.000000e+00 : f32
    %broadcast_in_dim3A_97 = vector.broadcast %broadcast_in_dim3A_96 : f32 to vector<2048x8xf32>
    %slice3A_98 = vector.extract_strided_slice %add3A_95 {offsets = [0, 0], sizes = [2048, 8], strides = [1, 1]} : vector<4096x8xf32> to vector<2048x8xf32>
    %concatenate3A_99 = tpu.concatenate %broadcast_in_dim3A_97, %slice3A_98 in 0 : vector<2048x8xf32>, vector<2048x8xf32> -> vector<4096x8xf32>
    %add3A_100 = arith.addf %add3A_95, %concatenate3A_99 : vector<4096x8xf32>
    %mul3A = arith.mulf %concatenate3A, %add3A_100 : vector<4096x8xf32>
    %reduce_sum3A = arith.constant dense<0.000000e+00> : vector<4096xf32>
    %reduce_sum3A_101 = vector.multi_reduction <add>, %mul3A, %reduce_sum3A [1] : vector<4096x8xf32> to vector<4096xf32>
    %broadcast_in_dim3A_102 = vector.shape_cast %reduce_sum3A_101 : vector<4096xf32> to vector<4096x1xf32>
    %sub3A_103 = arith.constant 1.000000e+00 : f32
    %sub3A_104 = vector.broadcast %sub3A_103 : f32 to vector<4096x1xf32>
    %sub3A_105 = arith.subf %broadcast_in_dim3A_102, %sub3A_104 : vector<4096x1xf32>
    %slice3A_106 = vector.extract_strided_slice %add3A_100 {offsets = [4095, 0], sizes = [1, 8], strides = [1, 1]} : vector<4096x8xf32> to vector<1x8xf32>
    %convert_element_type3A_107 = arith.fptosi %slice3A_106 : vector<1x8xf32> to vector<1x8xi32>
    %add3A_108 = arith.constant 255 : i32
    %add3A_109 = vector.broadcast %add3A_108 : i32 to vector<1x8xi32>
    %add3A_110 = arith.addi %convert_element_type3A_107, %add3A_109 : vector<1x8xi32>
    %jit3A_111 = arith.constant 256 : i32
    %div3A = vector.broadcast %jit3A_111 : i32 to vector<1x8xi32>
    %div3A_112 = arith.divsi %add3A_110, %div3A : vector<1x8xi32>
    %sign3A = arith.constant 0 : i32
    %sign3A_113 = vector.broadcast %sign3A : i32 to vector<1x8xi32>
    %sign3A_114 = arith.cmpi sgt, %add3A_110, %sign3A_113 : vector<1x8xi32>
    %sign3A_115 = arith.extui %sign3A_114 : vector<1x8xi1> to vector<1x8xi32>
    %sign3A_116 = arith.constant 0 : i32
    %sign3A_117 = vector.broadcast %sign3A_116 : i32 to vector<1x8xi32>
    %sign3A_118 = arith.cmpi slt, %add3A_110, %sign3A_117 : vector<1x8xi32>
    %sign3A_119 = arith.extui %sign3A_118 : vector<1x8xi1> to vector<1x8xi32>
    %sign3A_120 = arith.subi %sign3A_115, %sign3A_119 : vector<1x8xi32>
    %sign3A_121 = arith.constant 0 : i32
    %sign3A_122 = arith.cmpi sgt, %jit3A_111, %sign3A_121 : i32
    %sign3A_123 = arith.extui %sign3A_122 : i1 to i32
    %sign3A_124 = arith.constant 0 : i32
    %sign3A_125 = arith.cmpi slt, %jit3A_111, %sign3A_124 : i32
    %sign3A_126 = arith.extui %sign3A_125 : i1 to i32
    %sign3A_127 = arith.subi %sign3A_123, %sign3A_126 : i32
    %ne3A = vector.broadcast %sign3A_127 : i32 to vector<1x8xi32>
    %ne3A_128 = arith.cmpi ne, %sign3A_120, %ne3A : vector<1x8xi32>
    %rem3A = vector.broadcast %jit3A_111 : i32 to vector<1x8xi32>
    %rem3A_129 = arith.remsi %add3A_110, %rem3A : vector<1x8xi32>
    %ne3A_130 = arith.constant 0 : i32
    %ne3A_131 = vector.broadcast %ne3A_130 : i32 to vector<1x8xi32>
    %ne3A_132 = arith.cmpi ne, %rem3A_129, %ne3A_131 : vector<1x8xi32>
    %and3A = arith.andi %ne3A_128, %ne3A_132 : vector<1x8xi1>
    %sub3A_133 = arith.constant 1 : i32
    %sub3A_134 = vector.broadcast %sub3A_133 : i32 to vector<1x8xi32>
    %sub3A_135 = arith.subi %div3A_112, %sub3A_134 : vector<1x8xi32>
    %select_n3A_136 = arith.select %and3A, %sub3A_135, %div3A_112 : vector<1x8xi1>, vector<1x8xi32>
    %iota3A_137 = tpu.iota {dimensions = array<i32: 0>} : vector<8x8xi32>
    %iota3A_138 = tpu.iota {dimensions = array<i32: 1>} : vector<8x8xi32>
    %le3A = arith.cmpi sle, %iota3A_137, %iota3A_138 : vector<8x8xi32>
    %convert_element_type3A_139 = arith.extui %le3A : vector<8x8xi1> to vector<8x8xi32>
    %convert_element_type3A_140 = arith.sitofp %convert_element_type3A_139 : vector<8x8xi32> to vector<8x8xf32>
    %convert_element_type3A_141 = arith.sitofp %select_n3A_136 : vector<1x8xi32> to vector<1x8xf32>
    %dot_general3A_142 = arith.constant dense<0.000000e+00> : vector<1x8xf32>
    %dot_general3A_143 = tpu.matmul %convert_element_type3A_141, %convert_element_type3A_140, %dot_general3A_142 {dimension_numbers = #tpu.dot_dimension_numbers<[1], [0], [0], [1], [0, 0, 1, 1], [], []>, transpose_lhs_hint = false} : vector<1x8xf32>, vector<8x8xf32>, vector<1x8xf32> -> vector<1x8xf32>
    %convert_element_type3A_144 = arith.sitofp %select_n3A_136 : vector<1x8xi32> to vector<1x8xf32>
    %sub3A_145 = arith.subf %dot_general3A_143, %convert_element_type3A_144 : vector<1x8xf32>
    %mul3A_146 = arith.constant 2.560000e+02 : f32
    %mul3A_147 = vector.broadcast %mul3A_146 : f32 to vector<1x8xf32>
    %mul3A_148 = arith.mulf %mul3A_147, %sub3A_145 : vector<1x8xf32>
    %mul3A_149 = vector.broadcast %mul3A_148 : vector<1x8xf32> to vector<4096x8xf32>
    %mul3A_150 = arith.mulf %concatenate3A, %mul3A_149 : vector<4096x8xf32>
    %reduce_sum3A_151 = arith.constant dense<0.000000e+00> : vector<4096xf32>
    %reduce_sum3A_152 = vector.multi_reduction <add>, %mul3A_150, %reduce_sum3A_151 [1] : vector<4096x8xf32> to vector<4096xf32>
    %broadcast_in_dim3A_153 = vector.shape_cast %reduce_sum3A_152 : vector<4096xf32> to vector<4096x1xf32>
    %add3A_154 = arith.addf %broadcast_in_dim3A_153, %sub3A_105 : vector<4096x1xf32>
    %convert_element_type3A_155 = arith.fptosi %add3A_154 : vector<4096x1xf32> to vector<4096x1xi32>
    %swap3A = arith.constant 0 : index
    %swap3A_156 = arith.constant 0 : index
    %swap3A_157 = vector.load %arg2[%swap3A, %swap3A_156] : memref<4096x1xi32, #tpu.memory_space<vmem>>, vector<4096x1xi32>
    tpu.vector_store %arg2[%swap3A, %swap3A_156], %convert_element_type3A_155 {strides = array<i32>} : memref<4096x1xi32, #tpu.memory_space<vmem>>, vector<4096x1xi32>,
    %concatenate3A_158 = tpu.concatenate %logistic3A_32, %sub3A_35 in 0 : vector<2048x1xf32>, vector<2048x1xf32> -> vector<4096x1xf32>
    %swap3A_159 = arith.constant 0 : index
    %swap3A_160 = arith.constant 0 : index
    %swap3A_161 = vector.load %arg3[%swap3A_159, %swap3A_160] : memref<4096x1xf32, #tpu.memory_space<vmem>>, vector<4096x1xf32>
    tpu.vector_store %arg3[%swap3A_159, %swap3A_160], %concatenate3A_158 {strides = array<i32>} : memref<4096x1xf32, #tpu.memory_space<vmem>>, vector<4096x1xf32>,
    %eq3A_162 = arith.cmpi eq, %iota3A_137, %iota3A_138 : vector<8x8xi32>
    %convert_element_type3A_163 = arith.extui %eq3A_162 : vector<8x8xi1> to vector<8x8xi32>
    %convert_element_type3A_164 = arith.sitofp %convert_element_type3A_163 : vector<8x8xi32> to vector<8x8xf32>
    %dot_general3A_165 = arith.constant dense<0.000000e+00> : vector<8x1xf32>
    %dot_general3A_166 = tpu.matmul %convert_element_type3A_164, %dot_general3A_143, %dot_general3A_165 {dimension_numbers = #tpu.dot_dimension_numbers<[1], [1], [0], [0], [0, 0, 1, 0], [], []>, transpose_lhs_hint = false} : vector<8x8xf32>, vector<1x8xf32>, vector<8x1xf32> -> vector<8x1xf32>
    %iota3A_167 = tpu.iota {dimensions = array<i32: 1>} : vector<8x128xi32>
    %convert_element_type3A_168 = arith.sitofp %iota3A_167 : vector<8x128xi32> to vector<8x128xf32>
    %ge3A = vector.broadcast %dot_general3A_166 : vector<8x1xf32> to vector<8x128xf32>
    %ge3A_169 = arith.cmpf oge, %convert_element_type3A_168, %ge3A : vector<8x128xf32>
    %convert_element_type3A_170 = arith.extui %ge3A_169 : vector<8x128xi1> to vector<8x128xi32>
    %convert_element_type3A_171 = arith.sitofp %convert_element_type3A_170 : vector<8x128xi32> to vector<8x128xf32>
    %broadcast_in_dim3A_172 = arith.constant 1.000000e+00 : f32
    %broadcast_in_dim3A_173 = vector.broadcast %broadcast_in_dim3A_172 : f32 to vector<1x8xf32>
    %dot_general3A_174 = arith.constant dense<0.000000e+00> : vector<1x128xf32>
    %dot_general3A_175 = tpu.matmul %broadcast_in_dim3A_173, %convert_element_type3A_171, %dot_general3A_174 {dimension_numbers = #tpu.dot_dimension_numbers<[1], [0], [0], [1], [0, 0, 1, 1], [], []>, transpose_lhs_hint = false} : vector<1x8xf32>, vector<8x128xf32>, vector<1x128xf32> -> vector<1x128xf32>
    %min3A = arith.constant 7.000000e+00 : f32
    %min3A_176 = vector.broadcast %min3A : f32 to vector<1x128xf32>
    %min3A_177 = arith.minimumf %dot_general3A_175, %min3A_176 : vector<1x128xf32>
    %convert_element_type3A_178 = arith.fptosi %min3A_177 : vector<1x128xf32> to vector<1x128xi32>
    %swap3A_179 = arith.constant 0 : index
    %swap3A_180 = arith.constant 0 : index
    %swap3A_181 = vector.load %arg4[%swap3A_179, %swap3A_180] : memref<1x128xi32, #tpu.memory_space<vmem>>, vector<1x128xi32>
    tpu.vector_store %arg4[%swap3A_179, %swap3A_180], %convert_element_type3A_178 {strides = array<i32>} : memref<1x128xi32, #tpu.memory_space<vmem>>, vector<1x128xi32>,
    return
  }
}

</mosaic_0001>

<sc_bundles>
// kernel: kernel.6.cloned.1.call-start
scs
__scs_entry_jumppad:
0x0: {  	(pc) =	sbr.rel $0x88, $3  }
0x1: {  	(tag) =	ssettag $0x0;
	lr =	simm.s32 $0x1  }
0x2: {  	[smem:$0x3F9D] =	sst lr;
	_ =	strace $0xD0000000  }
0x3: {  	_ = 	snop  }
0x4: {  	_ = 	snop  }
0x5: {  	_ = 	snop  }
0x6: {  	_ = 	snop  }
0x7: {  	_ = 	snop  }
__scs_overlays_trampoline_lowered:
0x8: {  	[smem:$0x3FAC] =	sst s0  }
0x9: {  	[smem:$0x3FAD] =	sst s1  }
0xa: {  	[smem:$0x3FAE] =	sst s2  }
0xb: {  	[smem:$0x3FAF] =	sst s3  }
0xc: {  	[smem:$0x3FB0] =	sst s4  }
0xd: {  	[smem:$0x3FB1] =	sst s5  }
0xe: {  	[smem:$0x3FB2] =	sst s6  }
0xf: {  	[smem:$0x3FB3] =	sst s7  }
0x10: {  	[smem:$0x3FB4] =	sst s8  }
0x11: {  	[smem:$0x3FB5] =	sst s9;
	s0 =	simm.s32 @!p0 $0x0  }
0x12: {  	s1 =	sld [smem:$0x3F9B];
	s0 =	simm.s32 @p0 $0x1  }
0x13: {  	[smem:$0x3FB6] =	sst s0;
	s0 =	simm.s32 @!p1 $0x0  }
0x14: {  	s2 =	sld [smem:$0x3F9A];
	s0 =	simm.s32 @p1 $0x1  }
0x15: {  	[smem:$0x3FB7] =	sst s0;
	s0 =	simm.s32 @!p2 $0x0  }
0x16: {  	s3 =	sld [smem:$0x3FDB];
	s0 =	simm.s32 @p2 $0x1  }
0x17: {  	s4 =	simm.s32 $0x1BF5;
	[smem:$0x3FB9] =	sst s0  }
0x18: {  	s0 =	sld [smem:$0x3F9C];
	_ =	swait.ge [sflag:s4], $0x0  }
0x19: {  	s7 =	sld [smem:$0x3F9D]  }
0x1a: {  	s8 =	sadd.s32 $0xFFFFE003, lr  }
0x1b: {  	s9 =	sadd.s32 $0xFFFFFEF7, lr;
	s5 =	simm.s32 $0xFFFFFFFF;
	p2 =	slt.u32 s8, $0xFFFFF086  }
0x1c: {  	p1 =	slt.u32 s9, $0xF7A;
	s5 =	simm.s32 @!p2 $0x0  }
0x1d: {  	s5 =	simm.s32 @p1 $0x1;
	p0 =	seq.s32 s7, s2  }
0x1e: {  	s7 =	smul.u32 @!p0 $0xF7A, s2;
	p2 =	seq.s32 @!p0 s5, $0x0  }
0x1f: {  	s9 =	smul.u32 $0xF7A, s1;
	s8 =	simm.s32 @!p0 $0x1BF5;
	p2 =	por !p2, p0  }
0x20: {  	[sflag:s8] =	ssyncset.s32 @!p0 $0xFFFFF086;
	s6 =	sadd.s32 @!p0 s3, s7;
	s7 =	simm.s32 @!p0 $0x108  }
0x21: {  	s3 =	sadd.s32 s3, s9;
	s6 =	sadd.s32 @!p0 $0x88, s6;
	s7 =	simm.s32 @p2 $0x1082  }
0x22: {  	[simem:s7], [sflag:s8] =	dma.local @!p0 [hbm:s6], $0xF7A  }
0x23: {  	s9 =	sor.u32 $0xD0000000, s2;
	s6 =	simm.s32 $0x108;
	_ =	swait.ge @!p0 [sflag:s8], $0x0  }
0x24: {  	s3 =	sadd.s32 $0x88, s3;
	s6 =	simm.s32 @!p1 $0x1082;
	[sflag:s4] =	ssyncset.s32 $0xFFFFF086  }
0x25: {  	[simem:s6], [sflag:s4] =	dma.local [hbm:s3], $0xF7A  }
0x26: {  	[smem:$0x3F9D] =	sst s1;
	(tag) =	ssettag s2;
	_ =	strace s9  }
0x27: {  	s1 =	sld [smem:$0x3FAD]  }
0x28: {  	s2 =	sld [smem:$0x3FAE]  }
0x29: {  	s4 =	sld [smem:$0x3FB0]  }
0x2a: {  	p0 =	seq.s32 s5, $0x0;
	s5 =	sld [smem:$0x3FB1]  }
0x2b: {  	s6 =	sld [smem:$0x3FB2]  }
0x2c: {  	s7 =	sld [smem:$0x3FB3]  }
0x2d: {  	s3 =	simm.s32 $0x108;
	s8 =	sld [smem:$0x3FB4]  }
0x2e: {  	s3 =	simm.s32 @!p0 $0x1082;
	s9 =	sld [smem:$0x3FB5]  }
0x2f: {  	lr =	sadd.s32 s0, s3;
	s0 =	sld [smem:$0x3FAC]  }
0x30: {  	s3 =	sld [smem:$0x3FAF]  }
0x31: {  	[smem:$0x3FB8] =	sst s10  }
0x32: {  	s10 =	sld [smem:$0x3FB6];
	_ =	sdelay $0x3  }
0x33: {  	p0 =	seq.s32 s10, $0x1;
	s10 =	sld [smem:$0x3FB8];
	_ =	sdelay $0x3  }
0x34: {  	[smem:$0x3FB8] =	sst s10  }
0x35: {  	s10 =	sld [smem:$0x3FB7];
	_ =	sdelay $0x3  }
0x36: {  	p1 =	seq.s32 s10, $0x1;
	s10 =	sld [smem:$0x3FB8];
	_ =	sdelay $0x3  }
0x37: {  	[smem:$0x3FB8] =	sst s10  }
0x38: {  	s10 =	sld [smem:$0x3FB9]  }
0x39: {  	_ = 	snop;
	(pc) =	sbr.ind lr, $3  }
0x3a: {  	_ = 	snop  }
0x3b: {  	_ = 	snop  }
0x3c: {  	p2 =	seq.s32 s10, $0x1;
	s10 =	sld [smem:$0x3FB8]  }
0x3d: {  	_ =	shalt  }
0x3e: {  	_ =	shalt  }
0x3f: {  	_ =	shalt  }
0x40: {  	_ =	shalt  }
0x41: {  	_ =	shalt  }
0x42: {  	_ =	shalt  }
0x43: {  	_ =	shalt  }
0x44: {  	_ =	shalt  }
0x45: {  	_ =	shalt  }
0x46: {  	_ =	shalt  }
0x47: {  	_ =	shalt  }
0x48: {  	_ =	shalt  }
0x49: {  	_ =	shalt  }
0x4a: {  	_ =	shalt  }
0x4b: {  	_ =	shalt  }
0x4c: {  	_ =	shalt  }
0x4d: {  	_ =	shalt  }
0x4e: {  	_ =	shalt  }
0x4f: {  	_ =	shalt  }
0x50: {  	_ =	shalt  }
0x51: {  	_ =	shalt  }
0x52: {  	_ =	shalt  }
0x53: {  	_ =	shalt  }
0x54: {  	_ =	shalt  }
0x55: {  	_ =	shalt  }
0x56: {  	_ =	shalt  }
0x57: {  	_ =	shalt  }
0x58: {  	_ =	shalt  }
0x59: {  	_ =	shalt  }
0x5a: {  	_ =	shalt  }
0x5b: {  	_ =	shalt  }
0x5c: {  	_ =	shalt  }
0x5d: {  	_ =	shalt  }
0x5e: {  	_ =	shalt  }
0x5f: {  	_ =	shalt  }
0x60: {  	_ =	shalt  }
0x61: {  	_ =	shalt  }
0x62: {  	_ =	shalt  }
0x63: {  	_ =	shalt  }
0x64: {  	_ =	shalt  }
0x65: {  	_ =	shalt  }
0x66: {  	_ =	shalt  }
0x67: {  	_ =	shalt  }
0x68: {  	_ =	shalt  }
0x69: {  	_ =	shalt  }
0x6a: {  	_ =	shalt  }
0x6b: {  	_ =	shalt  }
0x6c: {  	_ =	shalt  }
0x6d: {  	_ =	shalt  }
0x6e: {  	_ =	shalt  }
0x6f: {  	_ =	shalt  }
0x70: {  	_ =	shalt  }
0x71: {  	_ =	shalt  }
0x72: {  	_ =	shalt  }
0x73: {  	_ =	shalt  }
0x74: {  	_ =	shalt  }
0x75: {  	_ =	shalt  }
0x76: {  	_ =	shalt  }
0x77: {  	_ =	shalt  }
0x78: {  	_ =	shalt  }
0x79: {  	_ =	shalt  }
0x7a: {  	_ =	shalt  }
0x7b: {  	_ =	shalt  }
0x7c: {  	_ =	shalt  }
0x7d: {  	_ =	shalt  }
0x7e: {  	_ =	shalt  }
0x7f: {  	_ =	shalt  }
0x80: {  	_ =	shalt  }
0x81: {  	_ =	shalt  }
0x82: {  	_ =	shalt  }
0x83: {  	_ =	shalt  }
0x84: {  	_ =	shalt  }
0x85: {  	_ =	shalt  }
0x86: {  	_ =	shalt  }
0x87: {  	_ =	shalt  }
.Lfunc_end0:
.L_simem_size_0:
called_computation_lowered:
.L_overlay_start_0:
0x88: {  	s2 =	sld [smem:$0x3FD9]  }
0x89: {  	s3 =	sld [smem:$0x3FFE];
	_ =	sdelay $0x1  }
0x8a: {  	s1 =	srdreg.scid  }
0x8b: {  	s0 =	sand.u32 $0x1, s1  }
0x8c: {  	s17 =	sshll.u32 s0, $0xA;
	s2 =	sadd.s32 s3, s2  }
0x8d: {  	s2 =	sadd.s32 s2, s17  }
0x8e: {  	[smem:$0x3FC4] =	sst s2  }
0x8f: {  	_ = 	snop  }
0x90: {  	s2 =	sld [smem:$0x3FC9];
	(tm) =	ssettm $0x1  }
0x91: {  	s18 =	sld [smem:$0x3FFB];
	_ =	sdelay $0x3  }
0x92: {  	_ =	strace s18  }
0x93: {  	s3 =	sld [smem:$0x3FFC];
	_ =	sdelay $0x3  }
0x94: {  	_ =	strace s3  }
0x95: {  	s3 =	sld [smem:$0x3FFD];
	_ =	sdelay $0x3  }
0x96: {  	_ =	strace s3  }
0x97: {  	_ =	strace $0x8FFFFFFF  }
0x98: {  	s19 =	sld [smem:$0x3FDB];
	_ =	sdelay $0x1  }
0x99: {  	s4 =	simm.s32 $_scs_section_size  }
0x9a: {  	s5 =	simm.s32 $_size__tile_overlayer_lowered;
	s6 =	simm.s32 $_tile_overlayer_lowered  }
0x9b: {  	s22 =	simm.s32 $0x1BFF;
	s21 =	sshll.u32 s6, $0x1;
	s3 =	sadd.s32 s4, s19  }
0x9c: {  	s7 =	simm.s32 $0x0;
	s20 =	sshll.u32 s5, $0x1;
	s5 =	sadd.s32 s21, s3  }
0x9d: {  	[timem:s7], [sflag:s22] =	dma.local [hbm:s5], s20  }
0x9e: {  	_ =	swait.ge [sflag:s22], s20  }
0x9f: {  	s4 =	ssub.s32 $0x0, s20;
	[sflag:s22] =	ssyncset.done $0x0  }
0xa0: {  	[sflag:s22] =	ssyncadd.s32 s4;
	_ =	sdelay $0x1  }
0xa1: {  	s23 =	simm.s32 $0x1B8B  }
0xa2: {  	_ =	swait.ge [sflag:s23], $0x1  }
0xa3: {  	[sflag:s23] =	ssyncset.done $0x0  }
0xa4: {  	s25 =	simm.s32 $0x1B8E;
	s24 =	sld [smem:$0x3FFE];
	[sflag:s23] =	ssyncadd.s32 $0xFFFFFFFF  }
0xa5: {  	s26 =	simm.s32 $execute0_lowered;
	[smem:$0x3FD2] =	sst s25  }
0xa6: {  	s5 =	sshll.u32 s26, $0x1;
	_ =	strace $0x80000046;
	[dreg:$0x1] =	wrdreg $0xFFFFFFFF  }
0xa7: {  	s28 =	simm.s32 $_size_execute0_lowered;
	s3 =	sadd.s32 s3, s5;
	[dreg:$0x0] =	wrdreg $0x0  }
0xa8: {  	s5 =	sshll.u32 s28, $0x1;
	[dreg:$0x2] =	wrdreg s3  }
0xa9: {  	[dreg:$0x3] =	wrdreg s5  }
0xaa: {  	[dreg:$0x4] =	wrdreg $0xC0  }
0xab: {  	_ =	task [dreg:s7], $0x5FFFF  }
0xac: {  	[dreg:$0x1] =	wrdreg $0xFFFFFFFF  }
0xad: {  	[dreg:$0x0] =	wrdreg $0x60  }
0xae: {  	[dreg:$0x2] =	wrdreg s2  }
0xaf: {  	[dreg:$0x3] =	wrdreg s24  }
0xb0: {  	[dreg:$0x4] =	wrdreg $0x9  }
0xb1: {  	_ =	task.clear_ibuf [dreg:s7], $0x5FFFF;
	_ =	strace $0x90000046  }
0xb2: {  	s29 =	simm.s32 $0x9;
	_ =	strace $0x80000048  }
0xb3: {  	_ =	swait.ge [sflag:s29], $0x1  }
0xb4: {  	[sflag:s29] =	ssyncadd.s32 $0xFFFFFFFF  }
0xb5: {  	_ =	strace $0x90000048  }
0xb6: {  	_ =	sfence  }
0xb7: {  	s30 =	sld [smem:$0x0];
	_ =	sdelay $0x2  }
0xb8: {  	s31 =	sshll.u32 s1, $0xD;
	s1 =	sshrl.u32 s1, $0x2  }
0xb9: {  	s3 =	sand.u32 $0x4000, s31;
	s1 =	sadd.s32 s1, s30  }
0xba: {  	s0 =	sor.u32 s3, s0;
	s1 =	sshll.u32 s1, $0x11  }
0xbb: {  	s0 =	sor.u32 s1, s0  }
0xbc: {  	s0 =	sadd.s32 $0x8F2B, s0  }
0xbd: {  	[sflag:s0] =	ssyncadd.remote.s32 $0x1  }
0xbe: {  	_ =	sfence.sel $0xFFFF  }
0xbf: {  	[dreg:$0x0] =	wrdreg $0xFFFFFFFF;
	(pc) =	sbr.abs _section_cstart, $3  }
0xc0: {  	[dreg:$0x1] =	wrdreg $0xFFFFFFFF  }
0xc1: {  	_ =	task.clear_ibuf [dreg:s7], $0x2FFFF;
	_ =	strace $0x9FFFFFFF  }
0xc2: {  	(tm) =	ssettm $0x7FFFFFFF  }
0xc3: {  	_ =	shalt  }
tec
execute0_lowered:
.L_overlay_start_1:
0x0: {  	(tag) =	ssettag $0x1  }
0x1: {  	s0 =	rddreg [dreg:$0x0]  }
0x2: {  	s1 =	rddreg [dreg:$0x1];
	s2 =	simm.s32 $0x0;
	s3 =	srdreg.scid  }
0x3: {  	s6 =	stileid.u32;
	s26 =	simm.s32 $0x80;
	s18 =	simm.s32 $0x1  }
0x4: {  	s28 =	simm.s32 $0x3900;
	s29 =	simm.s32 $0x4100;
	s30 =	simm.s32 $0x4900  }
0x5: {  	s31 =	simm.s32 $0x5100;
	s10 =	simm.s32 $0x6900;
	s11 =	simm.s32 $0x7100  }
0x6: {  	s12 =	simm.s32 $0x7900;
	s13 =	simm.s32 $0x8100;
	s14 =	simm.s32 $0x8900  }
0x7: {  	s15 =	simm.s32 $0x9100;
	s16 =	simm.s32 $0x9900;
	s17 =	simm.s32 $0xA100  }
0x8: {  	[smem:$0x7FF] =	sst s2;
	s4 =	sand.u32 $0x1, s3;
	s5 =	sadd.s32 $0x1400, s1  }
0x9: {  	s6 =	sshll.u32 s6, $0x8;
	s3 =	sadd.s32 $0x1600, s1;
	_ =	strace $0x80000047  }
0xa: {  	s7 =	sshll.u32 s4, $0x7;
	s4 =	ssub.s32 $0x2, s4;
	[dreg:$0x7] =	wrdreg s26  }
0xb: {  	s26 =	simm.s32 $0x3100;
	s6 =	sor.u32 s7, s6;
	s21 =	sshrl.u32 s4, $0x1  }
0xc: {  	s8 =	sshrl.u32 s6, $0x3;
	s9 =	sshll.u32 s6, $0x7;
	s7 =	ssub.s32 s4, s21  }
0xd: {  	s6 =	sor.u32 $0x40, s6;
	s4 =	sadd.s32 $0x1700, s1;
	s21 =	simm.s32 $0x900  }
0xe: {  	s22 =	sadd.s32 s5, s8;
	s23 =	sand.u32 $0x3C000, s9;
	s25 =	sshrl.u32 s6, $0x3  }
0xf: {  	s6 =	sshll.u32 s6, $0x7;
	s7 =	smax.u32 s7, $0x1;
	s9 =	simm.s32 $0xA900  }
0x10: {  	[dreg:$0x3] =	wrdreg s22;
	s24 =	sadd.s32 s0, s23;
	s8 =	sadd.s32 s5, s25  }
0x11: {  	s6 =	sand.u32 $0x3E000, s6;
	s5 =	sadd.s32 $0x1800, s1;
	s22 =	simm.s32 $0x1100  }
0x12: {  	v2 =	vlaneseq.u32;
	s23 =	simm.s32 $0x1900;
	s25 =	simm.s32 $0x2900;
	[dreg:$0x4] =	wrdreg s24  }
0x13: {  	vm0 =	vmmov $0xffff;
	v1 =	vshrl.u32 v2, $0x3;
	[dreg:$0x5] =	wrdreg s8;
	s0 =	sadd.s32 s0, s6;
	s6 =	sadd.s32 $0x1900, s1  }
0x14: {  	v0 =	vand.u32 $0x7, v2;
	v2 =	vor.u32 $0x8, v2;
	v1 =	vmul.u32 $0x8, v1;
	s8 =	simm.s32 $0x2;
	s24 =	simm.s32 $0x2100;
	[dreg:$0x6] =	wrdreg s0  }
.LBB2_1:
0x15: {  	s19 =	rddreg [dreg:$0x3]  }
0x16: {  	[tilespmem:s2], [sflag:$0x2] =	stream.linear.gather [hbm4b:s19+s2], $0x40, $0x38;
	[tilespmem:$0x10100] =	vst v63  }
0x17: {  	_ =	swait.ge [sflag:s8], $0x40  }
0x18: {  	[sflag:s8] =	ssyncset.done $0x0  }
0x19: {  	s0 =	simm.s32 $0x100;
	s1 =	rddreg [dreg:$0x4];
	[sflag:s8] =	ssyncadd.s32 $0xFFFFFFC0  }
0x1a: {  	[tilespmem:s0], [sflag:$0x2] =	stream.linear.gather [hbm4b:s1+s2], $0x10000, $0x38;
	[tilespmem:$0x10100] =	vst v63  }
0x1b: {  	_ =	swait.ge [sflag:s8], $0x10000  }
0x1c: {  	[sflag:s8] =	ssyncset.done $0x0  }
0x1d: {  	[sflag:s8] =	ssyncadd.s32 $0xFFFF0000  }
0x1e: {  	v3 =	vld [tilespmem:$0x0];
	_ =	sdelay $0x4  }
0x1f: {  	v4 =	vshll.u32 v3, $0x3  }
0x20: {  	v3 =	vand.u32 $0x7, v3;
	v4 =	vand.u32 $0xFFFFFFC0, v4  }
0x21: {  	v3 =	vor.u32 v3, v4  }
0x22: {  	v4 =	vperm.xlane v3, v0;
	_ =	sdelay $0x1  }
0x23: {  	v4 =	vadd.s32 v1, v4;
	_ =	sdelay $0x4  }
0x24: {  	[hbm4b:s3+s2] =	stream.indirect_vreg.scatter [tilespmem:s0], [sflag:$0x1], $0x80, v4, vm0, $0xb8;
	[tilespmem:$0x10100] =	vst v63  }
0x25: {  	v3 =	vperm.xlane v3, v2  }
0x26: {  	[hbm4b:s4+s2] =	stream.indirect_vreg.scatter [tilespmem:s21], [sflag:$0x1], $0x80, v4, vm0, $0xb8;
	[tilespmem:$0x10100] =	vst v63  }
0x27: {  	v3 =	vadd.s32 v1, v3  }
0x28: {  	[hbm4b:s5+s2] =	stream.indirect_vreg.scatter [tilespmem:s22], [sflag:$0x1], $0x80, v4, vm0, $0xb8;
	[tilespmem:$0x10100] =	vst v63  }
0x29: {  	_ = 	snop  }
0x2a: {  	[hbm4b:s6+s2] =	stream.indirect_vreg.scatter [tilespmem:s23], [sflag:$0x1], $0x80, v4, vm0, $0xb8;
	[tilespmem:$0x10100] =	vst v63  }
0x2b: {  	_ = 	snop  }
0x2c: {  	[hbm4b:s3+s2] =	stream.indirect_vreg.scatter [tilespmem:s24], [sflag:$0x1], $0x80, v3, vm0, $0xb8;
	[tilespmem:$0x10100] =	vst v63  }
0x2d: {  	_ = 	snop  }
0x2e: {  	[hbm4b:s4+s2] =	stream.indirect_vreg.scatter [tilespmem:s25], [sflag:$0x1], $0x80, v3, vm0, $0xb8;
	[tilespmem:$0x10100] =	vst v63  }
0x2f: {  	_ = 	snop  }
0x30: {  	[hbm4b:s5+s2] =	stream.indirect_vreg.scatter [tilespmem:s26], [sflag:$0x1], $0x80, v3, vm0, $0xb8;
	[tilespmem:$0x10100] =	vst v63  }
0x31: {  	_ = 	snop  }
0x32: {  	[hbm4b:s6+s2] =	stream.indirect_vreg.scatter [tilespmem:s28], [sflag:$0x1], $0x80, v3, vm0, $0xb8;
	[tilespmem:$0x10100] =	vst v63  }
0x33: {  	v3 =	vld [tilespmem:$0x10];
	_ =	sdelay $0x4  }
0x34: {  	v57 =	vshll.u32 v3, $0x3  }
0x35: {  	v3 =	vand.u32 $0x7, v3;
	v4 =	vand.u32 $0xFFFFFFC0, v57  }
0x36: {  	v3 =	vor.u32 v3, v4  }
0x37: {  	v4 =	vperm.xlane v3, v0;
	_ =	sdelay $0x1  }
0x38: {  	v4 =	vadd.s32 v1, v4;
	_ =	sdelay $0x4  }
0x39: {  	[hbm4b:s3+s2] =	stream.indirect_vreg.scatter [tilespmem:s29], [sflag:$0x1], $0x80, v4, vm0, $0xb8;
	[tilespmem:$0x10100] =	vst v63  }
0x3a: {  	v3 =	vperm.xlane v3, v2  }
0x3b: {  	[hbm4b:s4+s2] =	stream.indirect_vreg.scatter [tilespmem:s30], [sflag:$0x1], $0x80, v4, vm0, $0xb8;
	[tilespmem:$0x10100] =	vst v63  }
0x3c: {  	v3 =	vadd.s32 v1, v3  }
0x3d: {  	[hbm4b:s5+s2] =	stream.indirect_vreg.scatter [tilespmem:s31], [sflag:$0x1], $0x80, v4, vm0, $0xb8;
	[tilespmem:$0x10100] =	vst v63  }
0x3e: {  	s1 =	simm.s32 $0x5900  }
0x3f: {  	[hbm4b:s6+s2] =	stream.indirect_vreg.scatter [tilespmem:s1], [sflag:$0x1], $0x80, v4, vm0, $0xb8;
	[tilespmem:$0x10100] =	vst v63  }
0x40: {  	s1 =	simm.s32 $0x6100  }
0x41: {  	[hbm4b:s3+s2] =	stream.indirect_vreg.scatter [tilespmem:s1], [sflag:$0x1], $0x80, v3, vm0, $0xb8;
	[tilespmem:$0x10100] =	vst v63  }
0x42: {  	_ = 	snop  }
0x43: {  	[hbm4b:s4+s2] =	stream.indirect_vreg.scatter [tilespmem:s10], [sflag:$0x1], $0x80, v3, vm0, $0xb8;
	[tilespmem:$0x10100] =	vst v63  }
0x44: {  	_ = 	snop  }
0x45: {  	[hbm4b:s5+s2] =	stream.indirect_vreg.scatter [tilespmem:s11], [sflag:$0x1], $0x80, v3, vm0, $0xb8;
	[tilespmem:$0x10100] =	vst v63  }
0x46: {  	_ = 	snop  }
0x47: {  	[hbm4b:s6+s2] =	stream.indirect_vreg.scatter [tilespmem:s12], [sflag:$0x1], $0x80, v3, vm0, $0xb8;
	[tilespmem:$0x10100] =	vst v63  }
0x48: {  	v3 =	vld [tilespmem:$0x20];
	_ =	sdelay $0x4  }
0x49: {  	v58 =	vshll.u32 v3, $0x3  }
0x4a: {  	v3 =	vand.u32 $0x7, v3;
	v4 =	vand.u32 $0xFFFFFFC0, v58  }
0x4b: {  	v3 =	vor.u32 v3, v4  }
0x4c: {  	v4 =	vperm.xlane v3, v0;
	_ =	sdelay $0x1  }
0x4d: {  	v4 =	vadd.s32 v1, v4;
	_ =	sdelay $0x4  }
0x4e: {  	[hbm4b:s3+s2] =	stream.indirect_vreg.scatter [tilespmem:s13], [sflag:$0x1], $0x80, v4, vm0, $0xb8;
	[tilespmem:$0x10100] =	vst v63  }
0x4f: {  	v3 =	vperm.xlane v3, v2  }
0x50: {  	[hbm4b:s4+s2] =	stream.indirect_vreg.scatter [tilespmem:s14], [sflag:$0x1], $0x80, v4, vm0, $0xb8;
	[tilespmem:$0x10100] =	vst v63  }
0x51: {  	v3 =	vadd.s32 v1, v3  }
0x52: {  	[hbm4b:s5+s2] =	stream.indirect_vreg.scatter [tilespmem:s15], [sflag:$0x1], $0x80, v4, vm0, $0xb8;
	[tilespmem:$0x10100] =	vst v63  }
0x53: {  	_ = 	snop  }
0x54: {  	[hbm4b:s6+s2] =	stream.indirect_vreg.scatter [tilespmem:s16], [sflag:$0x1], $0x80, v4, vm0, $0xb8;
	[tilespmem:$0x10100] =	vst v63  }
0x55: {  	_ = 	snop  }
0x56: {  	[hbm4b:s3+s2] =	stream.indirect_vreg.scatter [tilespmem:s17], [sflag:$0x1], $0x80, v3, vm0, $0xb8;
	[tilespmem:$0x10100] =	vst v63  }
0x57: {  	_ = 	snop  }
0x58: {  	[hbm4b:s4+s2] =	stream.indirect_vreg.scatter [tilespmem:s9], [sflag:$0x1], $0x80, v3, vm0, $0xb8;
	[tilespmem:$0x10100] =	vst v63  }
0x59: {  	s20 =	simm.s32 $0xB100  }
0x5a: {  	[hbm4b:s5+s2] =	stream.indirect_vreg.scatter [tilespmem:s20], [sflag:$0x1], $0x80, v3, vm0, $0xb8;
	[tilespmem:$0x10100] =	vst v63  }
0x5b: {  	s20 =	simm.s32 $0xB900  }
0x5c: {  	[hbm4b:s6+s2] =	stream.indirect_vreg.scatter [tilespmem:s20], [sflag:$0x1], $0x80, v3, vm0, $0xb8;
	[tilespmem:$0x10100] =	vst v63  }
0x5d: {  	v3 =	vld [tilespmem:$0x30];
	_ =	sdelay $0x4  }
0x5e: {  	v59 =	vshll.u32 v3, $0x3  }
0x5f: {  	v3 =	vand.u32 $0x7, v3;
	v4 =	vand.u32 $0xFFFFFFC0, v59  }
0x60: {  	v3 =	vor.u32 v3, v4  }
0x61: {  	v4 =	vperm.xlane v3, v0;
	_ =	sdelay $0x1  }
0x62: {  	v4 =	vadd.s32 v1, v4;
	_ =	sdelay $0x3  }
0x63: {  	s20 =	simm.s32 $0xC100  }
0x64: {  	[hbm4b:s3+s2] =	stream.indirect_vreg.scatter [tilespmem:s20], [sflag:$0x1], $0x80, v4, vm0, $0xb8;
	[tilespmem:$0x10100] =	vst v63  }
0x65: {  	v3 =	vperm.xlane v3, v2;
	s20 =	simm.s32 $0xC900  }
0x66: {  	[hbm4b:s4+s2] =	stream.indirect_vreg.scatter [tilespmem:s20], [sflag:$0x1], $0x80, v4, vm0, $0xb8;
	[tilespmem:$0x10100] =	vst v63  }
0x67: {  	v3 =	vadd.s32 v1, v3;
	s20 =	simm.s32 $0xD100  }
0x68: {  	[hbm4b:s5+s2] =	stream.indirect_vreg.scatter [tilespmem:s20], [sflag:$0x1], $0x80, v4, vm0, $0xb8;
	[tilespmem:$0x10100] =	vst v63  }
0x69: {  	s20 =	simm.s32 $0xD900  }
0x6a: {  	[hbm4b:s6+s2] =	stream.indirect_vreg.scatter [tilespmem:s20], [sflag:$0x1], $0x80, v4, vm0, $0xb8;
	[tilespmem:$0x10100] =	vst v63  }
0x6b: {  	s20 =	simm.s32 $0xE100  }
0x6c: {  	[hbm4b:s3+s2] =	stream.indirect_vreg.scatter [tilespmem:s20], [sflag:$0x1], $0x80, v3, vm0, $0xb8;
	[tilespmem:$0x10100] =	vst v63  }
0x6d: {  	s20 =	simm.s32 $0xE900  }
0x6e: {  	[hbm4b:s4+s2] =	stream.indirect_vreg.scatter [tilespmem:s20], [sflag:$0x1], $0x80, v3, vm0, $0xb8;
	[tilespmem:$0x10100] =	vst v63  }
0x6f: {  	s20 =	simm.s32 $0xF100  }
0x70: {  	[hbm4b:s5+s2] =	stream.indirect_vreg.scatter [tilespmem:s20], [sflag:$0x1], $0x80, v3, vm0, $0xb8;
	[tilespmem:$0x10100] =	vst v63  }
0x71: {  	s20 =	simm.s32 $0xF900  }
0x72: {  	[hbm4b:s6+s2] =	stream.indirect_vreg.scatter [tilespmem:s20], [sflag:$0x1], $0x80, v3, vm0, $0xb8;
	[tilespmem:$0x10100] =	vst v63  }
0x73: {  	_ =	swait.ge [sflag:s18], $0x10000  }
0x74: {  	s19 =	rddreg [dreg:$0x5];
	[sflag:s18] =	ssyncset.done $0x0  }
0x75: {  	s20 =	rddreg [dreg:$0x7];
	[sflag:s18] =	ssyncadd.s32 $0xFFFF0000  }
0x76: {  	[tilespmem:s20], [sflag:$0x2] =	stream.linear.gather [hbm4b:s19+s2], $0x40, $0x38;
	[tilespmem:$0x10100] =	vst v63  }
0x77: {  	_ =	swait.ge [sflag:s8], $0x40  }
0x78: {  	[sflag:s8] =	ssyncset.done $0x0  }
0x79: {  	s20 =	rddreg [dreg:$0x6];
	[sflag:s8] =	ssyncadd.s32 $0xFFFFFFC0  }
0x7a: {  	[tilespmem:s0], [sflag:$0x2] =	stream.linear.gather [hbm4b:s20+s2], $0x10000, $0x38;
	[tilespmem:$0x10100] =	vst v63  }
0x7b: {  	_ =	swait.ge [sflag:s8], $0x10000  }
0x7c: {  	[sflag:s8] =	ssyncset.done $0x0  }
0x7d: {  	[sflag:s8] =	ssyncadd.s32 $0xFFFF0000  }
0x7e: {  	v3 =	vld [tilespmem:$0x80];
	_ =	sdelay $0x4  }
0x7f: {  	v60 =	vshll.u32 v3, $0x3  }
0x80: {  	v3 =	vand.u32 $0x7, v3;
	v4 =	vand.u32 $0xFFFFFFC0, v60  }
0x81: {  	v3 =	vor.u32 v3, v4  }
0x82: {  	v4 =	vperm.xlane v3, v0;
	_ =	sdelay $0x1  }
0x83: {  	v4 =	vadd.s32 v1, v4;
	_ =	sdelay $0x4  }
0x84: {  	[hbm4b:s3+s2] =	stream.indirect_vreg.scatter [tilespmem:s0], [sflag:$0x1], $0x80, v4, vm0, $0xb8;
	[tilespmem:$0x10100] =	vst v63  }
0x85: {  	v3 =	vperm.xlane v3, v2  }
0x86: {  	[hbm4b:s4+s2] =	stream.indirect_vreg.scatter [tilespmem:s21], [sflag:$0x1], $0x80, v4, vm0, $0xb8;
	[tilespmem:$0x10100] =	vst v63  }
0x87: {  	v3 =	vadd.s32 v1, v3  }
0x88: {  	[hbm4b:s5+s2] =	stream.indirect_vreg.scatter [tilespmem:s22], [sflag:$0x1], $0x80, v4, vm0, $0xb8;
	[tilespmem:$0x10100] =	vst v63  }
0x89: {  	_ = 	snop  }
0x8a: {  	[hbm4b:s6+s2] =	stream.indirect_vreg.scatter [tilespmem:s23], [sflag:$0x1], $0x80, v4, vm0, $0xb8;
	[tilespmem:$0x10100] =	vst v63  }
0x8b: {  	_ = 	snop  }
0x8c: {  	[hbm4b:s3+s2] =	stream.indirect_vreg.scatter [tilespmem:s24], [sflag:$0x1], $0x80, v3, vm0, $0xb8;
	[tilespmem:$0x10100] =	vst v63  }
0x8d: {  	_ = 	snop  }
0x8e: {  	[hbm4b:s4+s2] =	stream.indirect_vreg.scatter [tilespmem:s25], [sflag:$0x1], $0x80, v3, vm0, $0xb8;
	[tilespmem:$0x10100] =	vst v63  }
0x8f: {  	_ = 	snop  }
0x90: {  	[hbm4b:s5+s2] =	stream.indirect_vreg.scatter [tilespmem:s26], [sflag:$0x1], $0x80, v3, vm0, $0xb8;
	[tilespmem:$0x10100] =	vst v63  }
0x91: {  	_ = 	snop  }
0x92: {  	[hbm4b:s6+s2] =	stream.indirect_vreg.scatter [tilespmem:s28], [sflag:$0x1], $0x80, v3, vm0, $0xb8;
	[tilespmem:$0x10100] =	vst v63  }
0x93: {  	v3 =	vld [tilespmem:$0x90];
	_ =	sdelay $0x4  }
0x94: {  	v61 =	vshll.u32 v3, $0x3  }
0x95: {  	v3 =	vand.u32 $0x7, v3;
	v4 =	vand.u32 $0xFFFFFFC0, v61  }
0x96: {  	v3 =	vor.u32 v3, v4  }
0x97: {  	v4 =	vperm.xlane v3, v0;
	_ =	sdelay $0x1  }
0x98: {  	v4 =	vadd.s32 v1, v4;
	_ =	sdelay $0x4  }
0x99: {  	[hbm4b:s3+s2] =	stream.indirect_vreg.scatter [tilespmem:s29], [sflag:$0x1], $0x80, v4, vm0, $0xb8;
	[tilespmem:$0x10100] =	vst v63  }
0x9a: {  	v3 =	vperm.xlane v3, v2  }
0x9b: {  	[hbm4b:s4+s2] =	stream.indirect_vreg.scatter [tilespmem:s30], [sflag:$0x1], $0x80, v4, vm0, $0xb8;
	[tilespmem:$0x10100] =	vst v63  }
0x9c: {  	v3 =	vadd.s32 v1, v3  }
0x9d: {  	[hbm4b:s5+s2] =	stream.indirect_vreg.scatter [tilespmem:s31], [sflag:$0x1], $0x80, v4, vm0, $0xb8;
	[tilespmem:$0x10100] =	vst v63  }
0x9e: {  	s19 =	simm.s32 $0x5900  }
0x9f: {  	[hbm4b:s6+s2] =	stream.indirect_vreg.scatter [tilespmem:s19], [sflag:$0x1], $0x80, v4, vm0, $0xb8;
	[tilespmem:$0x10100] =	vst v63  }
0xa0: {  	_ = 	snop  }
0xa1: {  	[hbm4b:s3+s2] =	stream.indirect_vreg.scatter [tilespmem:s1], [sflag:$0x1], $0x80, v3, vm0, $0xb8;
	[tilespmem:$0x10100] =	vst v63  }
0xa2: {  	_ = 	snop  }
0xa3: {  	[hbm4b:s4+s2] =	stream.indirect_vreg.scatter [tilespmem:s10], [sflag:$0x1], $0x80, v3, vm0, $0xb8;
	[tilespmem:$0x10100] =	vst v63  }
0xa4: {  	_ = 	snop  }
0xa5: {  	[hbm4b:s5+s2] =	stream.indirect_vreg.scatter [tilespmem:s11], [sflag:$0x1], $0x80, v3, vm0, $0xb8;
	[tilespmem:$0x10100] =	vst v63  }
0xa6: {  	_ = 	snop  }
0xa7: {  	[hbm4b:s6+s2] =	stream.indirect_vreg.scatter [tilespmem:s12], [sflag:$0x1], $0x80, v3, vm0, $0xb8;
	[tilespmem:$0x10100] =	vst v63  }
0xa8: {  	v3 =	vld [tilespmem:$0xA0];
	_ =	sdelay $0x4  }
0xa9: {  	v62 =	vshll.u32 v3, $0x3  }
0xaa: {  	v3 =	vand.u32 $0x7, v3;
	v4 =	vand.u32 $0xFFFFFFC0, v62  }
0xab: {  	v3 =	vor.u32 v3, v4  }
0xac: {  	v4 =	vperm.xlane v3, v0;
	_ =	sdelay $0x1  }
0xad: {  	v4 =	vadd.s32 v1, v4;
	_ =	sdelay $0x4  }
0xae: {  	[hbm4b:s3+s2] =	stream.indirect_vreg.scatter [tilespmem:s13], [sflag:$0x1], $0x80, v4, vm0, $0xb8;
	[tilespmem:$0x10100] =	vst v63  }
0xaf: {  	v3 =	vperm.xlane v3, v2  }
0xb0: {  	[hbm4b:s4+s2] =	stream.indirect_vreg.scatter [tilespmem:s14], [sflag:$0x1], $0x80, v4, vm0, $0xb8;
	[tilespmem:$0x10100] =	vst v63  }
0xb1: {  	v3 =	vadd.s32 v1, v3  }
0xb2: {  	[hbm4b:s5+s2] =	stream.indirect_vreg.scatter [tilespmem:s15], [sflag:$0x1], $0x80, v4, vm0, $0xb8;
	[tilespmem:$0x10100] =	vst v63  }
0xb3: {  	_ = 	snop  }
0xb4: {  	[hbm4b:s6+s2] =	stream.indirect_vreg.scatter [tilespmem:s16], [sflag:$0x1], $0x80, v4, vm0, $0xb8;
	[tilespmem:$0x10100] =	vst v63  }
0xb5: {  	_ = 	snop  }
0xb6: {  	[hbm4b:s3+s2] =	stream.indirect_vreg.scatter [tilespmem:s17], [sflag:$0x1], $0x80, v3, vm0, $0xb8;
	[tilespmem:$0x10100] =	vst v63  }
0xb7: {  	_ = 	snop  }
0xb8: {  	[hbm4b:s4+s2] =	stream.indirect_vreg.scatter [tilespmem:s9], [sflag:$0x1], $0x80, v3, vm0, $0xb8;
	[tilespmem:$0x10100] =	vst v63  }
0xb9: {  	s20 =	simm.s32 $0xB100  }
0xba: {  	[hbm4b:s5+s2] =	stream.indirect_vreg.scatter [tilespmem:s20], [sflag:$0x1], $0x80, v3, vm0, $0xb8;
	[tilespmem:$0x10100] =	vst v63  }
0xbb: {  	s1 =	simm.s32 $0xB900  }
0xbc: {  	[hbm4b:s6+s2] =	stream.indirect_vreg.scatter [tilespmem:s1], [sflag:$0x1], $0x80, v3, vm0, $0xb8;
	[tilespmem:$0x10100] =	vst v63  }
0xbd: {  	v3 =	vld [tilespmem:$0xB0];
	_ =	sdelay $0x4  }
0xbe: {  	v63 =	vshll.u32 v3, $0x3  }
0xbf: {  	v3 =	vand.u32 $0x7, v3;
	v4 =	vand.u32 $0xFFFFFFC0, v63  }
0xc0: {  	v3 =	vor.u32 v3, v4  }
0xc1: {  	v4 =	vperm.xlane v3, v0;
	_ =	sdelay $0x1  }
0xc2: {  	v4 =	vadd.s32 v1, v4;
	_ =	sdelay $0x3  }
0xc3: {  	s19 =	simm.s32 $0xC100  }
0xc4: {  	[hbm4b:s3+s2] =	stream.indirect_vreg.scatter [tilespmem:s19], [sflag:$0x1], $0x80, v4, vm0, $0xb8;
	[tilespmem:$0x10100] =	vst v63  }
0xc5: {  	s20 =	simm.s32 $0xC900;
	v3 =	vperm.xlane v3, v2  }
0xc6: {  	[hbm4b:s4+s2] =	stream.indirect_vreg.scatter [tilespmem:s20], [sflag:$0x1], $0x80, v4, vm0, $0xb8;
	[tilespmem:$0x10100] =	vst v63  }
0xc7: {  	s1 =	simm.s32 $0xD100;
	v3 =	vadd.s32 v1, v3  }
0xc8: {  	[hbm4b:s5+s2] =	stream.indirect_vreg.scatter [tilespmem:s1], [sflag:$0x1], $0x80, v4, vm0, $0xb8;
	[tilespmem:$0x10100] =	vst v63  }
0xc9: {  	s19 =	simm.s32 $0xD900  }
0xca: {  	[hbm4b:s6+s2] =	stream.indirect_vreg.scatter [tilespmem:s19], [sflag:$0x1], $0x80, v4, vm0, $0xb8;
	[tilespmem:$0x10100] =	vst v63  }
0xcb: {  	s20 =	simm.s32 $0xE100  }
0xcc: {  	[hbm4b:s3+s2] =	stream.indirect_vreg.scatter [tilespmem:s20], [sflag:$0x1], $0x80, v3, vm0, $0xb8;
	[tilespmem:$0x10100] =	vst v63  }
0xcd: {  	s1 =	simm.s32 $0xE900  }
0xce: {  	[hbm4b:s4+s2] =	stream.indirect_vreg.scatter [tilespmem:s1], [sflag:$0x1], $0x80, v3, vm0, $0xb8;
	[tilespmem:$0x10100] =	vst v63  }
0xcf: {  	p0 =	sne.s32 s7, $0x1;
	s19 =	simm.s32 $0xF100  }
0xd0: {  	[hbm4b:s5+s2] =	stream.indirect_vreg.scatter [tilespmem:s19], [sflag:$0x1], $0x80, v3, vm0, $0xb8;
	[tilespmem:$0x10100] =	vst v63  }
.Ltmp0:
0xd1: {  	s20 =	simm.s32 $0xF900;
	(pc) =	sbr.rel @p0 .LBB2_1-.Ltmp0, $4  }
0xd2: {  	[hbm4b:s6+s2] =	stream.indirect_vreg.scatter [tilespmem:s20], [sflag:$0x1], $0x80, v3, vm0, $0xb8;
	[tilespmem:$0x10100] =	vst v63  }
0xd3: {  	_ =	swait.ge [sflag:s18], $0x10000  }
0xd4: {  	[sflag:s18] =	ssyncset.done $0x0  }
0xd5: {  	s7 =	sadd.s32 $0xFFFFFFFF, s7;
	[sflag:s18] =	ssyncadd.s32 $0xFFFF0000  }
0xd6: {  	_ =	sfence.sel $0x180000  }
0xd7: {  	[bflag:$0x0] =	sbarrier.arrive $0xFFFF  }
0xd8: {  	_ =	strace $0x90000047  }
0xd9: {  	s0 =	stileid.u32;
	[bflag:$0x2] =	sbarrier.arrive $0xFFFF  }
0xda: {  	p0 =	sne.s32 s0, $0x0;
	s0 =	rddreg [dreg:$0x2]  }
0xdb: {  	s0 =	sadd.s32 @!p0 $0x100000, s0  }
0xdc: {  	[sflag:s0] =	ssyncadd.tile.s32 @!p0 $0x1;
	_ =	shalt  }
.Lfunc_end2:
_tile_overlayer_lowered:
.L_overlay_start_2:
0xdd: {  	(tag) =	ssettag $0x2  }
0xde: {  	s0 =	rddreg [dreg:$0x0];
	s2 =	stileid.u32  }
0xdf: {  	s1 =	rddreg [dreg:$0x1];
	p0 =	sne.s32 s2, $0x0  }
0xe0: {  	s3 =	rddreg [dreg:$0x2];
	[bflag:$0x3] =	sbarrier.arrive $0xFFFF;
	s2 =	simm.s32 @!p0 $0x1C02  }
0xe1: {  	[timem:s3], [sflag:s2] =	dma.local @!p0 [hbm:s0], s1  }
0xe2: {  	s0 =	simm.s32 @!p0 $0x2  }
0xe3: {  	_ =	swait.ge @!p0 [sflag:s0], s1  }
0xe4: {  	s1 =	ssub.s32 @!p0 $0x0, s1;
	[sflag:s0] =	ssyncset.done @!p0 $0x0  }
0xe5: {  	[sflag:s0] =	ssyncadd.s32 @!p0 s1  }
0xe6: {  	[bflag:$0x3] =	sbarrier.arrive $0xFFFF  }
0xe7: {  	_ =	shalt  }

// kernel: kernel.9.cloned.1.call-start
scs
__scs_entry_jumppad:
0x0: {  	(pc) =	sbr.rel $0x88, $3  }
0x1: {  	(tag) =	ssettag $0x0;
	lr =	simm.s32 $0x1  }
0x2: {  	[smem:$0x3F9D] =	sst lr;
	_ =	strace $0xD0000000  }
0x3: {  	_ = 	snop  }
0x4: {  	_ = 	snop  }
0x5: {  	_ = 	snop  }
0x6: {  	_ = 	snop  }
0x7: {  	_ = 	snop  }
__scs_overlays_trampoline_lowered:
0x8: {  	[smem:$0x3FAC] =	sst s0  }
0x9: {  	[smem:$0x3FAD] =	sst s1  }
0xa: {  	[smem:$0x3FAE] =	sst s2  }
0xb: {  	[smem:$0x3FAF] =	sst s3  }
0xc: {  	[smem:$0x3FB0] =	sst s4  }
0xd: {  	[smem:$0x3FB1] =	sst s5  }
0xe: {  	[smem:$0x3FB2] =	sst s6  }
0xf: {  	[smem:$0x3FB3] =	sst s7  }
0x10: {  	[smem:$0x3FB4] =	sst s8  }
0x11: {  	[smem:$0x3FB5] =	sst s9;
	s0 =	simm.s32 @!p0 $0x0  }
0x12: {  	s1 =	sld [smem:$0x3F9B];
	s0 =	simm.s32 @p0 $0x1  }
0x13: {  	[smem:$0x3FB6] =	sst s0;
	s0 =	simm.s32 @!p1 $0x0  }
0x14: {  	s2 =	sld [smem:$0x3F9A];
	s0 =	simm.s32 @p1 $0x1  }
0x15: {  	[smem:$0x3FB7] =	sst s0;
	s0 =	simm.s32 @!p2 $0x0  }
0x16: {  	s3 =	sld [smem:$0x3FDB];
	s0 =	simm.s32 @p2 $0x1  }
0x17: {  	s4 =	simm.s32 $0x1BF5;
	[smem:$0x3FB9] =	sst s0  }
0x18: {  	s0 =	sld [smem:$0x3F9C];
	_ =	swait.ge [sflag:s4], $0x0  }
0x19: {  	s7 =	sld [smem:$0x3F9D]  }
0x1a: {  	s8 =	sadd.s32 $0xFFFFE003, lr  }
0x1b: {  	s9 =	sadd.s32 $0xFFFFFEF7, lr;
	s5 =	simm.s32 $0xFFFFFFFF;
	p2 =	slt.u32 s8, $0xFFFFF086  }
0x1c: {  	p1 =	slt.u32 s9, $0xF7A;
	s5 =	simm.s32 @!p2 $0x0  }
0x1d: {  	s5 =	simm.s32 @p1 $0x1;
	p0 =	seq.s32 s7, s2  }
0x1e: {  	s7 =	smul.u32 @!p0 $0xF7A, s2;
	p2 =	seq.s32 @!p0 s5, $0x0  }
0x1f: {  	s9 =	smul.u32 $0xF7A, s1;
	s8 =	simm.s32 @!p0 $0x1BF5;
	p2 =	por !p2, p0  }
0x20: {  	[sflag:s8] =	ssyncset.s32 @!p0 $0xFFFFF086;
	s6 =	sadd.s32 @!p0 s3, s7;
	s7 =	simm.s32 @!p0 $0x108  }
0x21: {  	s3 =	sadd.s32 s3, s9;
	s6 =	sadd.s32 @!p0 $0x88, s6;
	s7 =	simm.s32 @p2 $0x1082  }
0x22: {  	[simem:s7], [sflag:s8] =	dma.local @!p0 [hbm:s6], $0xF7A  }
0x23: {  	s9 =	sor.u32 $0xD0000000, s2;
	s6 =	simm.s32 $0x108;
	_ =	swait.ge @!p0 [sflag:s8], $0x0  }
0x24: {  	s3 =	sadd.s32 $0x88, s3;
	s6 =	simm.s32 @!p1 $0x1082;
	[sflag:s4] =	ssyncset.s32 $0xFFFFF086  }
0x25: {  	[simem:s6], [sflag:s4] =	dma.local [hbm:s3], $0xF7A  }
0x26: {  	[smem:$0x3F9D] =	sst s1;
	(tag) =	ssettag s2;
	_ =	strace s9  }
0x27: {  	s1 =	sld [smem:$0x3FAD]  }
0x28: {  	s2 =	sld [smem:$0x3FAE]  }
0x29: {  	s4 =	sld [smem:$0x3FB0]  }
0x2a: {  	p0 =	seq.s32 s5, $0x0;
	s5 =	sld [smem:$0x3FB1]  }
0x2b: {  	s6 =	sld [smem:$0x3FB2]  }
0x2c: {  	s7 =	sld [smem:$0x3FB3]  }
0x2d: {  	s3 =	simm.s32 $0x108;
	s8 =	sld [smem:$0x3FB4]  }
0x2e: {  	s3 =	simm.s32 @!p0 $0x1082;
	s9 =	sld [smem:$0x3FB5]  }
0x2f: {  	lr =	sadd.s32 s0, s3;
	s0 =	sld [smem:$0x3FAC]  }
0x30: {  	s3 =	sld [smem:$0x3FAF]  }
0x31: {  	[smem:$0x3FB8] =	sst s10  }
0x32: {  	s10 =	sld [smem:$0x3FB6];
	_ =	sdelay $0x3  }
0x33: {  	p0 =	seq.s32 s10, $0x1;
	s10 =	sld [smem:$0x3FB8];
	_ =	sdelay $0x3  }
0x34: {  	[smem:$0x3FB8] =	sst s10  }
0x35: {  	s10 =	sld [smem:$0x3FB7];
	_ =	sdelay $0x3  }
0x36: {  	p1 =	seq.s32 s10, $0x1;
	s10 =	sld [smem:$0x3FB8];
	_ =	sdelay $0x3  }
0x37: {  	[smem:$0x3FB8] =	sst s10  }
0x38: {  	s10 =	sld [smem:$0x3FB9]  }
0x39: {  	_ = 	snop;
	(pc) =	sbr.ind lr, $3  }
0x3a: {  	_ = 	snop  }
0x3b: {  	_ = 	snop  }
0x3c: {  	p2 =	seq.s32 s10, $0x1;
	s10 =	sld [smem:$0x3FB8]  }
0x3d: {  	_ =	shalt  }
0x3e: {  	_ =	shalt  }
0x3f: {  	_ =	shalt  }
0x40: {  	_ =	shalt  }
0x41: {  	_ =	shalt  }
0x42: {  	_ =	shalt  }
0x43: {  	_ =	shalt  }
0x44: {  	_ =	shalt  }
0x45: {  	_ =	shalt  }
0x46: {  	_ =	shalt  }
0x47: {  	_ =	shalt  }
0x48: {  	_ =	shalt  }
0x49: {  	_ =	shalt  }
0x4a: {  	_ =	shalt  }
0x4b: {  	_ =	shalt  }
0x4c: {  	_ =	shalt  }
0x4d: {  	_ =	shalt  }
0x4e: {  	_ =	shalt  }
0x4f: {  	_ =	shalt  }
0x50: {  	_ =	shalt  }
0x51: {  	_ =	shalt  }
0x52: {  	_ =	shalt  }
0x53: {  	_ =	shalt  }
0x54: {  	_ =	shalt  }
0x55: {  	_ =	shalt  }
0x56: {  	_ =	shalt  }
0x57: {  	_ =	shalt  }
0x58: {  	_ =	shalt  }
0x59: {  	_ =	shalt  }
0x5a: {  	_ =	shalt  }
0x5b: {  	_ =	shalt  }
0x5c: {  	_ =	shalt  }
0x5d: {  	_ =	shalt  }
0x5e: {  	_ =	shalt  }
0x5f: {  	_ =	shalt  }
0x60: {  	_ =	shalt  }
0x61: {  	_ =	shalt  }
0x62: {  	_ =	shalt  }
0x63: {  	_ =	shalt  }
0x64: {  	_ =	shalt  }
0x65: {  	_ =	shalt  }
0x66: {  	_ =	shalt  }
0x67: {  	_ =	shalt  }
0x68: {  	_ =	shalt  }
0x69: {  	_ =	shalt  }
0x6a: {  	_ =	shalt  }
0x6b: {  	_ =	shalt  }
0x6c: {  	_ =	shalt  }
0x6d: {  	_ =	shalt  }
0x6e: {  	_ =	shalt  }
0x6f: {  	_ =	shalt  }
0x70: {  	_ =	shalt  }
0x71: {  	_ =	shalt  }
0x72: {  	_ =	shalt  }
0x73: {  	_ =	shalt  }
0x74: {  	_ =	shalt  }
0x75: {  	_ =	shalt  }
0x76: {  	_ =	shalt  }
0x77: {  	_ =	shalt  }
0x78: {  	_ =	shalt  }
0x79: {  	_ =	shalt  }
0x7a: {  	_ =	shalt  }
0x7b: {  	_ =	shalt  }
0x7c: {  	_ =	shalt  }
0x7d: {  	_ =	shalt  }
0x7e: {  	_ =	shalt  }
0x7f: {  	_ =	shalt  }
0x80: {  	_ =	shalt  }
0x81: {  	_ =	shalt  }
0x82: {  	_ =	shalt  }
0x83: {  	_ =	shalt  }
0x84: {  	_ =	shalt  }
0x85: {  	_ =	shalt  }
0x86: {  	_ =	shalt  }
0x87: {  	_ =	shalt  }
.Lfunc_end0:
.L_simem_size_0:
called_computation.1_lowered:
.L_overlay_start_0:
0x88: {  	s2 =	sld [smem:$0x3FD9]  }
0x89: {  	s3 =	sld [smem:$0x3FFE];
	_ =	sdelay $0x1  }
0x8a: {  	s1 =	srdreg.scid  }
0x8b: {  	s0 =	sand.u32 $0x1, s1  }
0x8c: {  	s17 =	sshll.u32 s0, $0xA;
	s2 =	sadd.s32 s3, s2  }
0x8d: {  	s2 =	sadd.s32 s2, s17  }
0x8e: {  	[smem:$0x3FC4] =	sst s2  }
0x8f: {  	_ = 	snop  }
0x90: {  	s2 =	sld [smem:$0x3FD0];
	(tm) =	ssettm $0x1  }
0x91: {  	s18 =	sld [smem:$0x3FFB];
	_ =	sdelay $0x3  }
0x92: {  	_ =	strace s18  }
0x93: {  	s3 =	sld [smem:$0x3FFC];
	_ =	sdelay $0x3  }
0x94: {  	_ =	strace s3  }
0x95: {  	s3 =	sld [smem:$0x3FFD];
	_ =	sdelay $0x3  }
0x96: {  	_ =	strace s3  }
0x97: {  	_ =	strace $0x8FFFFFFF  }
0x98: {  	s19 =	sld [smem:$0x3FDB];
	_ =	sdelay $0x1  }
0x99: {  	s4 =	simm.s32 $_scs_section_size  }
0x9a: {  	s5 =	simm.s32 $_size__tile_overlayer_lowered;
	s6 =	simm.s32 $_tile_overlayer_lowered  }
0x9b: {  	s22 =	simm.s32 $0x1BFF;
	s21 =	sshll.u32 s6, $0x1;
	s3 =	sadd.s32 s4, s19  }
0x9c: {  	s7 =	simm.s32 $0x0;
	s20 =	sshll.u32 s5, $0x1;
	s5 =	sadd.s32 s21, s3  }
0x9d: {  	[timem:s7], [sflag:s22] =	dma.local [hbm:s5], s20  }
0x9e: {  	_ =	swait.ge [sflag:s22], s20  }
0x9f: {  	s4 =	ssub.s32 $0x0, s20;
	[sflag:s22] =	ssyncset.done $0x0  }
0xa0: {  	[sflag:s22] =	ssyncadd.s32 s4;
	_ =	sdelay $0x1  }
0xa1: {  	s23 =	simm.s32 $0x1B8B  }
0xa2: {  	_ =	swait.ge [sflag:s23], $0x1  }
0xa3: {  	[sflag:s23] =	ssyncset.done $0x0  }
0xa4: {  	s25 =	simm.s32 $0x1B8E;
	s24 =	sld [smem:$0x3FFE];
	[sflag:s23] =	ssyncadd.s32 $0xFFFFFFFF  }
0xa5: {  	s26 =	simm.s32 $execute0_lowered;
	[smem:$0x3FD2] =	sst s25  }
0xa6: {  	s5 =	sshll.u32 s26, $0x1;
	_ =	strace $0x80000049;
	[dreg:$0x1] =	wrdreg $0xFFFFFFFF  }
0xa7: {  	s28 =	simm.s32 $_size_execute0_lowered;
	s3 =	sadd.s32 s3, s5;
	[dreg:$0x0] =	wrdreg $0x0  }
0xa8: {  	s5 =	sshll.u32 s28, $0x1;
	[dreg:$0x2] =	wrdreg s3  }
0xa9: {  	[dreg:$0x3] =	wrdreg s5  }
0xaa: {  	[dreg:$0x4] =	wrdreg $0xC0  }
0xab: {  	_ =	task [dreg:s7], $0x5FFFF  }
0xac: {  	[dreg:$0x1] =	wrdreg $0xFFFFFFFF  }
0xad: {  	[dreg:$0x0] =	wrdreg $0x60  }
0xae: {  	[dreg:$0x2] =	wrdreg s24  }
0xaf: {  	[dreg:$0x3] =	wrdreg s2  }
0xb0: {  	[dreg:$0x4] =	wrdreg $0x9  }
0xb1: {  	_ =	task.clear_ibuf [dreg:s7], $0x5FFFF;
	_ =	strace $0x90000049  }
0xb2: {  	s29 =	simm.s32 $0x9;
	_ =	strace $0x8000004B  }
0xb3: {  	_ =	swait.ge [sflag:s29], $0x1  }
0xb4: {  	[sflag:s29] =	ssyncadd.s32 $0xFFFFFFFF  }
0xb5: {  	_ =	strace $0x9000004B  }
0xb6: {  	_ =	sfence  }
0xb7: {  	s30 =	sld [smem:$0x0];
	_ =	sdelay $0x2  }
0xb8: {  	s31 =	sshll.u32 s1, $0xD;
	s1 =	sshrl.u32 s1, $0x2  }
0xb9: {  	s3 =	sand.u32 $0x4000, s31;
	s1 =	sadd.s32 s1, s30  }
0xba: {  	s0 =	sor.u32 s3, s0;
	s1 =	sshll.u32 s1, $0x11  }
0xbb: {  	s0 =	sor.u32 s1, s0  }
0xbc: {  	s0 =	sadd.s32 $0x8F2B, s0  }
0xbd: {  	[sflag:s0] =	ssyncadd.remote.s32 $0x1  }
0xbe: {  	_ =	sfence.sel $0xFFFF  }
0xbf: {  	[dreg:$0x0] =	wrdreg $0xFFFFFFFF;
	(pc) =	sbr.abs _section_cstart, $3  }
0xc0: {  	[dreg:$0x1] =	wrdreg $0xFFFFFFFF  }
0xc1: {  	_ =	task.clear_ibuf [dreg:s7], $0x2FFFF;
	_ =	strace $0x9FFFFFFF  }
0xc2: {  	(tm) =	ssettm $0x7FFFFFFF  }
0xc3: {  	_ =	shalt  }
tec
execute0_lowered:
.L_overlay_start_1:
0x0: {  	(tag) =	ssettag $0x1  }
0x1: {  	s0 =	rddreg [dreg:$0x0]  }
0x2: {  	s1 =	rddreg [dreg:$0x1]  }
0x3: {  	s2 =	simm.s32 $0x0;
	s3 =	srdreg.scid;
	s5 =	stileid.u32  }
0x4: {  	s17 =	simm.s32 $0x7;
	s13 =	simm.s32 $0x200;
	s14 =	simm.s32 $0xE200  }
0x5: {  	s15 =	simm.s32 $0xF200;
	s28 =	simm.s32 $0xFA00;
	s29 =	simm.s32 $0x1  }
0x6: {  	s30 =	simm.s32 $0x2;
	s31 =	simm.s32 $0x10200;
	s16 =	simm.s32 $0x14200  }
0x7: {  	[smem:$0x7FF] =	sst s2;
	s4 =	sand.u32 $0x1, s3;
	s3 =	sadd.s32 $0xB9800, s0  }
0x8: {  	s5 =	sshll.u32 s5, $0x7;
	s7 =	sadd.s32 $0x1400, s0;
	s18 =	sadd.s32 $0xB9600, s0  }
0x9: {  	s10 =	sadd.s32 $0xB9A00, s0;
	s6 =	sshll.u32 s4, $0x6;
	s4 =	ssub.s32 $0x2, s4  }
0xa: {  	s11 =	sadd.s32 $0xB9B00, s0;
	s5 =	sor.u32 s6, s5;
	s8 =	sshrl.u32 s4, $0x1  }
0xb: {  	_ =	strace $0x8000004A;
	s9 =	sshrl.u32 s5, $0x3;
	s4 =	ssub.s32 s4, s8  }
0xc: {  	s5 =	sshll.u32 s5, $0x7;
	s8 =	sadd.s32 $0xB9900, s0;
	s19 =	sadd.s32 s18, s9  }
0xd: {  	s0 =	simm.s32 $0x3;
	s21 =	sadd.s32 s7, s9;
	[dreg:$0x3] =	wrdreg s19  }
0xe: {  	s20 =	sor.u32 $0x100, s9;
	s26 =	smax.u32 s4, $0x1;
	[dreg:$0x5] =	wrdreg s21  }
0xf: {  	s9 =	sadd.s32 s1, s5;
	s6 =	sadd.s32 s18, s20;
	[dreg:$0xa] =	wrdreg s26  }
0x10: {  	s1 =	simm.s32 $0x4;
	s22 =	sadd.s32 s7, s20;
	[dreg:$0x4] =	wrdreg s6  }
0x11: {  	s4 =	simm.s32 $0x0;
	s23 =	sadd.s32 $0x800, s9;
	[dreg:$0x6] =	wrdreg s22  }
0x12: {  	v2 =	vlaneseq.u32;
	s24 =	sadd.s32 $0x1000, s9;
	s25 =	sadd.s32 $0x1800, s9;
	[dreg:$0x7] =	wrdreg s23  }
0x13: {  	vm0 =	vmmov $0xffff;
	v1 =	vshrl.u32 v2, $0x3;
	s26 =	simm.s32 $0xEA00;
	s18 =	simm.s32 $0x5;
	[dreg:$0x8] =	wrdreg s24  }
0x14: {  	v0 =	vand.u32 $0x7, v2;
	v2 =	vor.u32 $0x8, v2;
	v1 =	vmul.u32 $0x8, v1;
	s19 =	simm.s32 $0x6;
	[dreg:$0x9] =	wrdreg s25;
	s25 =	simm.s32 $0xDA00  }
.LBB2_1:
0x15: {  	s5 =	rddreg [dreg:$0x3];
	s6 =	simm.s32 $0x100  }
0x16: {  	[tilespmem:s6], [sflag:$0x7] =	stream.linear.gather [hbm4b:s5+s2], $0x40, $0x38;
	[tilespmem:$0x18200] =	vst v63  }
0x17: {  	_ =	swait.ge [sflag:s17], $0x40  }
0x18: {  	[sflag:s17] =	ssyncset.done $0x0  }
0x19: {  	s12 =	simm.s32 $0x180;
	s7 =	rddreg [dreg:$0x4];
	[sflag:s17] =	ssyncadd.s32 $0xFFFFFFC0  }
0x1a: {  	[tilespmem:s12], [sflag:$0x7] =	stream.linear.gather [hbm4b:s7+s2], $0x40, $0x38;
	[tilespmem:$0x18200] =	vst v63  }
0x1b: {  	_ =	swait.ge [sflag:s17], $0x40  }
0x1c: {  	[sflag:s17] =	ssyncset.done $0x0  }
0x1d: {  	s20 =	rddreg [dreg:$0x5];
	[sflag:s17] =	ssyncadd.s32 $0xFFFFFFC0  }
0x1e: {  	[tilespmem:s2], [sflag:$0x7] =	stream.linear.gather [hbm4b:s20+s2], $0x40, $0x38;
	[tilespmem:$0x18200] =	vst v63  }
0x1f: {  	_ =	swait.ge [sflag:s17], $0x40  }
0x20: {  	[sflag:s17] =	ssyncset.done $0x0  }
0x21: {  	s22 =	simm.s32 $0x80;
	s21 =	rddreg [dreg:$0x6];
	[sflag:s17] =	ssyncadd.s32 $0xFFFFFFC0  }
0x22: {  	[tilespmem:s22], [sflag:$0x7] =	stream.linear.gather [hbm4b:s21+s2], $0x40, $0x38;
	[tilespmem:$0x18200] =	vst v63  }
0x23: {  	_ =	swait.ge [sflag:s17], $0x40  }
0x24: {  	[sflag:s17] =	ssyncset.done $0x0  }
0x25: {  	[sflag:s17] =	ssyncadd.s32 $0xFFFFFFC0  }
0x26: {  	v3 =	vld [tilespmem:$0x0];
	_ =	sdelay $0x4  }
0x27: {  	v4 =	vshll.u32 v3, $0x3  }
0x28: {  	v3 =	vand.u32 $0x7, v3;
	v4 =	vand.u32 $0xFFFFFFC0, v4  }
0x29: {  	v3 =	vor.u32 v3, v4  }
0x2a: {  	v4 =	vperm.xlane v3, v0;
	_ =	sdelay $0x1  }
0x2b: {  	v4 =	vadd.s32 v1, v4;
	_ =	sdelay $0x4  }
0x2c: {  	v5 =	vld [tilespmem:$0x80];
	[tilespmem:s13], [sflag:$0x1] =	stream.indirect_vreg.gather [hbm4b:s3+s2], $0x80, v4, vm0, $0xb8  }
0x2d: {  	s23 =	simm.s32 $0xA00;
	v3 =	vperm.xlane v3, v2  }
0x2e: {  	[tilespmem:s23], [sflag:$0x1] =	stream.indirect_vreg.gather [hbm4b:s8+s2], $0x80, v4, vm0, $0xb8;
	[tilespmem:$0x18200] =	vst v63  }
0x2f: {  	s24 =	simm.s32 $0x1200;
	v3 =	vadd.s32 v1, v3  }
0x30: {  	[tilespmem:s24], [sflag:$0x1] =	stream.indirect_vreg.gather [hbm4b:s10+s2], $0x80, v4, vm0, $0xb8;
	[tilespmem:$0x18200] =	vst v63  }
0x31: {  	s6 =	simm.s32 $0x1A00  }
0x32: {  	[tilespmem:s6], [sflag:$0x1] =	stream.indirect_vreg.gather [hbm4b:s11+s2], $0x80, v4, vm0, $0xb8;
	v4 =	vshll.u32 v5, $0x3;
	[tilespmem:$0x18200] =	vst v63  }
0x33: {  	s7 =	simm.s32 $0x2200;
	v5 =	vand.u32 $0x7, v5;
	v4 =	vand.u32 $0xFFFFFFC0, v4  }
0x34: {  	[tilespmem:s7], [sflag:$0x1] =	stream.indirect_vreg.gather [hbm4b:s3+s2], $0x80, v3, vm0, $0xb8;
	v4 =	vor.u32 v5, v4;
	[tilespmem:$0x18200] =	vst v63  }
0x35: {  	s12 =	simm.s32 $0x2A00;
	v5 =	vperm.xlane v4, v0  }
0x36: {  	[tilespmem:s12], [sflag:$0x1] =	stream.indirect_vreg.gather [hbm4b:s8+s2], $0x80, v3, vm0, $0xb8;
	[tilespmem:$0x18200] =	vst v63  }
0x37: {  	s20 =	simm.s32 $0x3200;
	v5 =	vadd.s32 v1, v5  }
0x38: {  	[tilespmem:s20], [sflag:$0x1] =	stream.indirect_vreg.gather [hbm4b:s10+s2], $0x80, v3, vm0, $0xb8;
	[tilespmem:$0x18200] =	vst v63  }
0x39: {  	s21 =	simm.s32 $0x3A00  }
0x3a: {  	[tilespmem:s21], [sflag:$0x1] =	stream.indirect_vreg.gather [hbm4b:s11+s2], $0x80, v3, vm0, $0xb8;
	[tilespmem:$0x18200] =	vst v63  }
0x3b: {  	s22 =	simm.s32 $0x4200  }
0x3c: {  	[tilespmem:s22], [sflag:$0x2] =	stream.indirect_vreg.gather [hbm4b:s3+s2], $0x80, v5, vm0, $0xb8;
	[tilespmem:$0x18200] =	vst v63  }
0x3d: {  	s23 =	simm.s32 $0x4A00;
	v3 =	vperm.xlane v4, v2  }
0x3e: {  	[tilespmem:s23], [sflag:$0x2] =	stream.indirect_vreg.gather [hbm4b:s8+s2], $0x80, v5, vm0, $0xb8;
	[tilespmem:$0x18200] =	vst v63  }
0x3f: {  	s24 =	simm.s32 $0x5200;
	v3 =	vadd.s32 v1, v3  }
0x40: {  	[tilespmem:s24], [sflag:$0x2] =	stream.indirect_vreg.gather [hbm4b:s10+s2], $0x80, v5, vm0, $0xb8;
	[tilespmem:$0x18200] =	vst v63  }
0x41: {  	s6 =	simm.s32 $0x5A00  }
0x42: {  	[tilespmem:s6], [sflag:$0x2] =	stream.indirect_vreg.gather [hbm4b:s11+s2], $0x80, v5, vm0, $0xb8;
	[tilespmem:$0x18200] =	vst v63  }
0x43: {  	s7 =	simm.s32 $0x6200  }
0x44: {  	[tilespmem:s7], [sflag:$0x2] =	stream.indirect_vreg.gather [hbm4b:s3+s2], $0x80, v3, vm0, $0xb8;
	[tilespmem:$0x18200] =	vst v63  }
0x45: {  	s12 =	simm.s32 $0x6A00  }
0x46: {  	[tilespmem:s12], [sflag:$0x2] =	stream.indirect_vreg.gather [hbm4b:s8+s2], $0x80, v3, vm0, $0xb8;
	[tilespmem:$0x18200] =	vst v63  }
0x47: {  	s20 =	simm.s32 $0x7200  }
0x48: {  	[tilespmem:s20], [sflag:$0x2] =	stream.indirect_vreg.gather [hbm4b:s10+s2], $0x80, v3, vm0, $0xb8;
	[tilespmem:$0x18200] =	vst v63  }
0x49: {  	s21 =	simm.s32 $0x7A00  }
0x4a: {  	[tilespmem:s21], [sflag:$0x2] =	stream.indirect_vreg.gather [hbm4b:s11+s2], $0x80, v3, vm0, $0xb8;
	[tilespmem:$0x18200] =	vst v63  }
0x4b: {  	v3 =	vld [tilespmem:$0x10];
	_ =	sdelay $0x4  }
0x4c: {  	v4 =	vshll.u32 v3, $0x3  }
0x4d: {  	v3 =	vand.u32 $0x7, v3;
	v4 =	vand.u32 $0xFFFFFFC0, v4  }
0x4e: {  	v3 =	vor.u32 v3, v4  }
0x4f: {  	v4 =	vperm.xlane v3, v0;
	_ =	sdelay $0x1  }
0x50: {  	v4 =	vadd.s32 v1, v4;
	_ =	sdelay $0x3  }
0x51: {  	s22 =	simm.s32 $0x8200  }
0x52: {  	v5 =	vld [tilespmem:$0x90];
	[tilespmem:s22], [sflag:$0x3] =	stream.indirect_vreg.gather [hbm4b:s3+s2], $0x80, v4, vm0, $0xb8  }
0x53: {  	s23 =	simm.s32 $0x8A00;
	v3 =	vperm.xlane v3, v2  }
0x54: {  	[tilespmem:s23], [sflag:$0x3] =	stream.indirect_vreg.gather [hbm4b:s8+s2], $0x80, v4, vm0, $0xb8;
	[tilespmem:$0x18200] =	vst v63  }
0x55: {  	s24 =	simm.s32 $0x9200;
	v3 =	vadd.s32 v1, v3  }
0x56: {  	[tilespmem:s24], [sflag:$0x3] =	stream.indirect_vreg.gather [hbm4b:s10+s2], $0x80, v4, vm0, $0xb8;
	[tilespmem:$0x18200] =	vst v63  }
0x57: {  	s6 =	simm.s32 $0x9A00  }
0x58: {  	[tilespmem:s6], [sflag:$0x3] =	stream.indirect_vreg.gather [hbm4b:s11+s2], $0x80, v4, vm0, $0xb8;
	v4 =	vshll.u32 v5, $0x3;
	[tilespmem:$0x18200] =	vst v63  }
0x59: {  	s7 =	simm.s32 $0xA200;
	v5 =	vand.u32 $0x7, v5;
	v4 =	vand.u32 $0xFFFFFFC0, v4  }
0x5a: {  	[tilespmem:s7], [sflag:$0x3] =	stream.indirect_vreg.gather [hbm4b:s3+s2], $0x80, v3, vm0, $0xb8;
	v4 =	vor.u32 v5, v4;
	[tilespmem:$0x18200] =	vst v63  }
0x5b: {  	s12 =	simm.s32 $0xAA00;
	v5 =	vperm.xlane v4, v0  }
0x5c: {  	[tilespmem:s12], [sflag:$0x3] =	stream.indirect_vreg.gather [hbm4b:s8+s2], $0x80, v3, vm0, $0xb8;
	[tilespmem:$0x18200] =	vst v63  }
0x5d: {  	s20 =	simm.s32 $0xB200;
	v5 =	vadd.s32 v1, v5  }
0x5e: {  	[tilespmem:s20], [sflag:$0x3] =	stream.indirect_vreg.gather [hbm4b:s10+s2], $0x80, v3, vm0, $0xb8;
	[tilespmem:$0x18200] =	vst v63  }
0x5f: {  	s21 =	simm.s32 $0xBA00  }
0x60: {  	[tilespmem:s21], [sflag:$0x3] =	stream.indirect_vreg.gather [hbm4b:s11+s2], $0x80, v3, vm0, $0xb8;
	[tilespmem:$0x18200] =	vst v63  }
0x61: {  	s22 =	simm.s32 $0xC200  }
0x62: {  	[tilespmem:s22], [sflag:$0x4] =	stream.indirect_vreg.gather [hbm4b:s3+s2], $0x80, v5, vm0, $0xb8;
	[tilespmem:$0x18200] =	vst v63  }
0x63: {  	s23 =	simm.s32 $0xCA00;
	v3 =	vperm.xlane v4, v2  }
0x64: {  	[tilespmem:s23], [sflag:$0x4] =	stream.indirect_vreg.gather [hbm4b:s8+s2], $0x80, v5, vm0, $0xb8;
	[tilespmem:$0x18200] =	vst v63  }
0x65: {  	s24 =	simm.s32 $0xD200;
	v3 =	vadd.s32 v1, v3  }
0x66: {  	[tilespmem:s24], [sflag:$0x4] =	stream.indirect_vreg.gather [hbm4b:s10+s2], $0x80, v5, vm0, $0xb8;
	[tilespmem:$0x18200] =	vst v63  }
0x67: {  	_ = 	snop  }
0x68: {  	[tilespmem:s25], [sflag:$0x4] =	stream.indirect_vreg.gather [hbm4b:s11+s2], $0x80, v5, vm0, $0xb8;
	[tilespmem:$0x18200] =	vst v63  }
0x69: {  	_ = 	snop  }
0x6a: {  	[tilespmem:s14], [sflag:$0x4] =	stream.indirect_vreg.gather [hbm4b:s3+s2], $0x80, v3, vm0, $0xb8;
	[tilespmem:$0x18200] =	vst v63  }
0x6b: {  	_ = 	snop  }
0x6c: {  	[tilespmem:s26], [sflag:$0x4] =	stream.indirect_vreg.gather [hbm4b:s8+s2], $0x80, v3, vm0, $0xb8;
	[tilespmem:$0x18200] =	vst v63  }
0x6d: {  	_ = 	snop  }
0x6e: {  	[tilespmem:s15], [sflag:$0x4] =	stream.indirect_vreg.gather [hbm4b:s10+s2], $0x80, v3, vm0, $0xb8;
	[tilespmem:$0x18200] =	vst v63  }
0x6f: {  	_ = 	snop  }
0x70: {  	[tilespmem:s28], [sflag:$0x4] =	stream.indirect_vreg.gather [hbm4b:s11+s2], $0x80, v3, vm0, $0xb8;
	[tilespmem:$0x18200] =	vst v63  }
0x71: {  	_ =	swait.ge [sflag:s29], $0x4000  }
0x72: {  	[sflag:s29] =	ssyncset.done $0x0  }
0x73: {  	[sflag:s29] =	ssyncadd.s32 $0xFFFFC000  }
0x74: {  	_ =	swait.ge [sflag:s30], $0x4000  }
0x75: {  	[sflag:s30] =	ssyncset.done $0x0  }
0x76: {  	[sflag:s30] =	ssyncadd.s32 $0xFFFFC000  }
0x77: {  	v3 =	vld [tilespmem:$0x100]  }
0x78: {  	s5 =	simm.s32 $0x0;
	v4 =	vld [tilespmem:$0x180]  }
.LBB2_2:
0x79: {  	s6 =	sshll.u32 s5, $0xA;
	s7 =	sshll.u32 s5, $0x7  }
0x7a: {  	s12 =	simm.s32 $0x0;
	s6 =	sand.u32 $0x2000, s6;
	s7 =	sand.u32 $0x380, s7  }
0x7b: {  	s23 =	sand.u32 $0x40, s12;
	s7 =	sor.u32 s6, s7  }
0x7c: {  	s12 =	sand.u32 $0x1C00, s12;
	s6 =	sor.u32 s23, s7  }
0x7d: {  	s6 =	sor.u32 s12, s6  }
0x7e: {  	v5 =	vmov s5;
	v7 =	vld [tilespmem:s6+$0x230]  }
0x7f: {  	v5 =	vand.u32 $0xF, v5;
	v8 =	vld [tilespmem:s6+$0x4230]  }
0x80: {  	v6 =	vbroadcast v5, $0x0;
	v9 =	vld [tilespmem:s6+$0x200]  }
0x81: {  	v11 =	vld [tilespmem:s6+$0x4200]  }
0x82: {  	s24 =	simm.s32 $0x40;
	v5 =	vperm.xlane v3, v6;
	v6 =	vperm.xlane v4, v6;
	v12 =	vld [tilespmem:s6+$0x210]  }
0x83: {  	s21 =	simm.s32 $0x200;
	s12 =	sand.u32 $0x40, s24;
	v13 =	vld [tilespmem:s6+$0x4210]  }
0x84: {  	s20 =	sand.u32 $0x1C00, s21;
	s12 =	sor.u32 s12, s7;
	v14 =	vld [tilespmem:s6+$0x220];
	v10 =	vmul.f32 v7, v5;
	v8 =	vmul.f32 v8, v6  }
0x85: {  	v15 =	vld [tilespmem:s6+$0x4220];
	s20 =	sor.u32 s20, s12  }
0x86: {  	v7 =	vld [tilespmem:s20+$0x230];
	v9 =	vmul.f32 v9, v5;
	v11 =	vmul.f32 v11, v6;
	v16 =	vadd.f32 v8, v10  }
0x87: {  	v10 =	vld [tilespmem:s20+$0x4230]  }
0x88: {  	v63 =	vmul.f32 v12, v5;
	v13 =	vmul.f32 v13, v6;
	v8 =	vld [tilespmem:s20+$0x200];
	v17 =	vadd.f32 v11, v9;
	[tilespmem:s6+$0x10230] =	vst v16  }
0x89: {  	v11 =	vld [tilespmem:s20+$0x4200]  }
0x8a: {  	s22 =	simm.s32 $0x4;
	s23 =	simm.s32 $0x80;
	v12 =	vmul.f32 v14, v5;
	v14 =	vadd.f32 v13, v63;
	v13 =	vmul.f32 v15, v6;
	v9 =	vld [tilespmem:s20+$0x210];
	[tilespmem:s6+$0x10200] =	vst v17  }
.LBB2_3:
0x8b: {  	s12 =	sand.u32 $0x40, s23;
	v15 =	vld [tilespmem:s20+$0x4210];
	s21 =	sadd.s32 $0x200, s21  }
0x8c: {  	s22 =	sadd.s32 $0x4, s22;
	v17 =	vmul.f32 v7, v5;
	s24 =	sand.u32 $0x1C00, s21;
	s12 =	sor.u32 s12, s7;
	v16 =	vld [tilespmem:s20+$0x220];
	v10 =	vmul.f32 v10, v6;
	[tilespmem:s6+$0x10210] =	vst v14;
	v12 =	vadd.f32 v13, v12  }
0x8d: {  	p0 =	slt.u32 s22, $0x3C;
	s12 =	sor.u32 s24, s12;
	v13 =	vmul.f32 v8, v5;
	v18 =	vld [tilespmem:s20+$0x4220]  }
.Ltmp0:
0x8e: {  	v7 =	vld [tilespmem:s12+$0x230];
	v11 =	vmul.f32 v11, v6;
	v14 =	vadd.f32 v10, v17;
	[tilespmem:s6+$0x10220] =	vst v12;
	s6 =	smov.u32 s20;
	s20 =	smov.u32 s12;
	(pc) =	sbr.rel @p0 .LBB2_3-.Ltmp0, $4  }
0x8f: {  	v10 =	vld [tilespmem:s20+$0x4230];
	v17 =	vmul.f32 v9, v5  }
0x90: {  	v8 =	vld [tilespmem:s20+$0x200];
	v13 =	vadd.f32 v11, v13;
	v15 =	vmul.f32 v15, v6;
	[tilespmem:s6+$0x10230] =	vst v14  }
0x91: {  	v11 =	vld [tilespmem:s20+$0x4200];
	v12 =	vmul.f32 v16, v5  }
0x92: {  	s23 =	sadd.s32 $0x40, s23;
	v9 =	vld [tilespmem:s20+$0x210];
	[tilespmem:s6+$0x10200] =	vst v13;
	v14 =	vadd.f32 v15, v17;
	v13 =	vmul.f32 v18, v6  }
0x93: {  	v15 =	vld [tilespmem:s20+$0x4210]  }
0x94: {  	v16 =	vld [tilespmem:s20+$0x220];
	[tilespmem:s6+$0x10210] =	vst v14  }
0x95: {  	v14 =	vld [tilespmem:s20+$0x4220];
	_ =	sdelay $0x1  }
0x96: {  	v7 =	vmul.f32 v7, v5;
	v10 =	vmul.f32 v10, v6  }
0x97: {  	s5 =	sadd.s32 $0x1, s5;
	v12 =	vadd.f32 v13, v12;
	v8 =	vmul.f32 v8, v5;
	v11 =	vmul.f32 v11, v6  }
0x98: {  	p0 =	sne.s32 s5, $0x10;
	v7 =	vadd.f32 v10, v7;
	v9 =	vmul.f32 v9, v5;
	v63 =	vmul.f32 v15, v6  }
.Ltmp1:
0x99: {  	[tilespmem:s6+$0x10220] =	vst v12;
	v8 =	vadd.f32 v11, v8;
	v5 =	vmul.f32 v16, v5;
	v6 =	vmul.f32 v14, v6;
	(pc) =	sbr.rel @p0 .LBB2_2-.Ltmp1, $4  }
0x9a: {  	[tilespmem:s20+$0x10230] =	vst v7;
	v7 =	vadd.f32 v63, v9  }
0x9b: {  	[tilespmem:s20+$0x10200] =	vst v8;
	v5 =	vadd.f32 v6, v5  }
0x9c: {  	[tilespmem:s20+$0x10210] =	vst v7  }
0x9d: {  	[tilespmem:s20+$0x10220] =	vst v5  }
0x9e: {  	s5 =	simm.s32 $0x0  }
0x9f: {  	[hbm4b:s9+s5] =	stream.linear.scatter [tilespmem:s31], [sflag:$0x5], $0x4000, $0x38;
	[tilespmem:$0x18200] =	vst v63  }
0xa0: {  	v3 =	vld [tilespmem:$0x20];
	_ =	sdelay $0x4  }
0xa1: {  	v4 =	vshll.u32 v3, $0x3  }
0xa2: {  	v3 =	vand.u32 $0x7, v3;
	v4 =	vand.u32 $0xFFFFFFC0, v4  }
0xa3: {  	v3 =	vor.u32 v3, v4  }
0xa4: {  	v4 =	vperm.xlane v3, v0;
	_ =	sdelay $0x1  }
0xa5: {  	v4 =	vadd.s32 v1, v4;
	_ =	sdelay $0x4  }
0xa6: {  	v5 =	vld [tilespmem:$0xA0];
	[tilespmem:s13], [sflag:$0x1] =	stream.indirect_vreg.gather [hbm4b:s3+s5], $0x80, v4, vm0, $0xb8  }
0xa7: {  	s6 =	simm.s32 $0xA00;
	v3 =	vperm.xlane v3, v2  }
0xa8: {  	[tilespmem:s6], [sflag:$0x1] =	stream.indirect_vreg.gather [hbm4b:s8+s5], $0x80, v4, vm0, $0xb8;
	[tilespmem:$0x18200] =	vst v63  }
0xa9: {  	v3 =	vadd.s32 v1, v3;
	s13 =	simm.s32 $0x1200  }
0xaa: {  	[tilespmem:s13], [sflag:$0x1] =	stream.indirect_vreg.gather [hbm4b:s10+s5], $0x80, v4, vm0, $0xb8;
	[tilespmem:$0x18200] =	vst v63  }
0xab: {  	s20 =	simm.s32 $0x1A00  }
0xac: {  	[tilespmem:s20], [sflag:$0x1] =	stream.indirect_vreg.gather [hbm4b:s11+s5], $0x80, v4, vm0, $0xb8;
	v4 =	vshll.u32 v5, $0x3;
	[tilespmem:$0x18200] =	vst v63  }
0xad: {  	s21 =	simm.s32 $0x2200;
	v5 =	vand.u32 $0x7, v5;
	v4 =	vand.u32 $0xFFFFFFC0, v4  }
0xae: {  	[tilespmem:s21], [sflag:$0x1] =	stream.indirect_vreg.gather [hbm4b:s3+s5], $0x80, v3, vm0, $0xb8;
	v4 =	vor.u32 v5, v4;
	[tilespmem:$0x18200] =	vst v63  }
0xaf: {  	s22 =	simm.s32 $0x2A00;
	v5 =	vperm.xlane v4, v0  }
0xb0: {  	[tilespmem:s22], [sflag:$0x1] =	stream.indirect_vreg.gather [hbm4b:s8+s5], $0x80, v3, vm0, $0xb8;
	[tilespmem:$0x18200] =	vst v63  }
0xb1: {  	s23 =	simm.s32 $0x3200;
	v5 =	vadd.s32 v1, v5  }
0xb2: {  	[tilespmem:s23], [sflag:$0x1] =	stream.indirect_vreg.gather [hbm4b:s10+s5], $0x80, v3, vm0, $0xb8;
	[tilespmem:$0x18200] =	vst v63  }
0xb3: {  	s24 =	simm.s32 $0x3A00  }
0xb4: {  	[tilespmem:s24], [sflag:$0x1] =	stream.indirect_vreg.gather [hbm4b:s11+s5], $0x80, v3, vm0, $0xb8;
	[tilespmem:$0x18200] =	vst v63  }
0xb5: {  	s7 =	simm.s32 $0x4200  }
0xb6: {  	[tilespmem:s7], [sflag:$0x2] =	stream.indirect_vreg.gather [hbm4b:s3+s5], $0x80, v5, vm0, $0xb8;
	[tilespmem:$0x18200] =	vst v63  }
0xb7: {  	s12 =	simm.s32 $0x4A00;
	v3 =	vperm.xlane v4, v2  }
0xb8: {  	[tilespmem:s12], [sflag:$0x2] =	stream.indirect_vreg.gather [hbm4b:s8+s5], $0x80, v5, vm0, $0xb8;
	[tilespmem:$0x18200] =	vst v63  }
0xb9: {  	s13 =	simm.s32 $0x5200;
	v3 =	vadd.s32 v1, v3  }
0xba: {  	[tilespmem:s13], [sflag:$0x2] =	stream.indirect_vreg.gather [hbm4b:s10+s5], $0x80, v5, vm0, $0xb8;
	[tilespmem:$0x18200] =	vst v63  }
0xbb: {  	s20 =	simm.s32 $0x5A00  }
0xbc: {  	[tilespmem:s20], [sflag:$0x2] =	stream.indirect_vreg.gather [hbm4b:s11+s5], $0x80, v5, vm0, $0xb8;
	[tilespmem:$0x18200] =	vst v63  }
0xbd: {  	s21 =	simm.s32 $0x6200  }
0xbe: {  	[tilespmem:s21], [sflag:$0x2] =	stream.indirect_vreg.gather [hbm4b:s3+s5], $0x80, v3, vm0, $0xb8;
	[tilespmem:$0x18200] =	vst v63  }
0xbf: {  	s22 =	simm.s32 $0x6A00  }
0xc0: {  	[tilespmem:s22], [sflag:$0x2] =	stream.indirect_vreg.gather [hbm4b:s8+s5], $0x80, v3, vm0, $0xb8;
	[tilespmem:$0x18200] =	vst v63  }
0xc1: {  	s23 =	simm.s32 $0x7200  }
0xc2: {  	[tilespmem:s23], [sflag:$0x2] =	stream.indirect_vreg.gather [hbm4b:s10+s5], $0x80, v3, vm0, $0xb8;
	[tilespmem:$0x18200] =	vst v63  }
0xc3: {  	s24 =	simm.s32 $0x7A00  }
0xc4: {  	[tilespmem:s24], [sflag:$0x2] =	stream.indirect_vreg.gather [hbm4b:s11+s5], $0x80, v3, vm0, $0xb8;
	[tilespmem:$0x18200] =	vst v63  }
0xc5: {  	_ =	swait.ge [sflag:s0], $0x4000  }
0xc6: {  	[sflag:s0] =	ssyncset.done $0x0  }
0xc7: {  	[sflag:s0] =	ssyncadd.s32 $0xFFFFC000  }
0xc8: {  	_ =	swait.ge [sflag:s1], $0x4000  }
0xc9: {  	[sflag:s1] =	ssyncset.done $0x0  }
0xca: {  	[sflag:s1] =	ssyncadd.s32 $0xFFFFC000  }
0xcb: {  	v3 =	vld [tilespmem:$0x110]  }
0xcc: {  	s6 =	simm.s32 $0x0;
	v4 =	vld [tilespmem:$0x190]  }
.LBB2_6:
0xcd: {  	s7 =	sshll.u32 s6, $0xA;
	s12 =	sshll.u32 s6, $0x7  }
0xce: {  	s7 =	sand.u32 $0x2000, s7;
	s12 =	sand.u32 $0x380, s12  }
0xcf: {  	s22 =	sand.u32 $0x40, s5;
	s20 =	sor.u32 s7, s12  }
0xd0: {  	s23 =	sand.u32 $0x1C00, s5;
	s7 =	sor.u32 s22, s20  }
0xd1: {  	s7 =	sor.u32 s23, s7  }
0xd2: {  	v5 =	vmov s6;
	v7 =	vld [tilespmem:s7+$0x8230]  }
0xd3: {  	v5 =	vand.u32 $0xF, v5;
	v8 =	vld [tilespmem:s7+$0xC230]  }
0xd4: {  	v6 =	vbroadcast v5, $0x0;
	v9 =	vld [tilespmem:s7+$0x8200]  }
0xd5: {  	v11 =	vld [tilespmem:s7+$0xC200]  }
0xd6: {  	s24 =	simm.s32 $0x40;
	v5 =	vperm.xlane v3, v6;
	v6 =	vperm.xlane v4, v6;
	v12 =	vld [tilespmem:s7+$0x8210]  }
0xd7: {  	s12 =	sand.u32 $0x40, s24;
	s22 =	simm.s32 $0x200;
	v13 =	vld [tilespmem:s7+$0xC210]  }
0xd8: {  	s12 =	sor.u32 s12, s20;
	s21 =	sand.u32 $0x1C00, s22;
	v14 =	vld [tilespmem:s7+$0x8220];
	v10 =	vmul.f32 v7, v5;
	v8 =	vmul.f32 v8, v6  }
0xd9: {  	s21 =	sor.u32 s21, s12;
	v15 =	vld [tilespmem:s7+$0xC220]  }
0xda: {  	v7 =	vld [tilespmem:s21+$0x8230];
	v9 =	vmul.f32 v9, v5;
	v11 =	vmul.f32 v11, v6;
	v16 =	vadd.f32 v8, v10  }
0xdb: {  	v10 =	vld [tilespmem:s21+$0xC230]  }
0xdc: {  	v63 =	vmul.f32 v12, v5;
	v13 =	vmul.f32 v13, v6;
	v8 =	vld [tilespmem:s21+$0x8200];
	v17 =	vadd.f32 v11, v9;
	[tilespmem:s7+$0x14230] =	vst v16  }
0xdd: {  	v11 =	vld [tilespmem:s21+$0xC200]  }
0xde: {  	s23 =	simm.s32 $0x4;
	s12 =	simm.s32 $0x80;
	v12 =	vmul.f32 v14, v5;
	v14 =	vadd.f32 v13, v63;
	v13 =	vmul.f32 v15, v6;
	v9 =	vld [tilespmem:s21+$0x8210];
	[tilespmem:s7+$0x14200] =	vst v17  }
.LBB2_7:
0xdf: {  	s24 =	sand.u32 $0x40, s12;
	v15 =	vld [tilespmem:s21+$0xC210];
	s22 =	sadd.s32 $0x200, s22  }
0xe0: {  	s23 =	sadd.s32 $0x4, s23;
	v17 =	vmul.f32 v7, v5;
	s13 =	sand.u32 $0x1C00, s22;
	s24 =	sor.u32 s24, s20;
	v16 =	vld [tilespmem:s21+$0x8220];
	v10 =	vmul.f32 v10, v6;
	[tilespmem:s7+$0x14210] =	vst v14;
	v12 =	vadd.f32 v13, v12  }
0xe1: {  	p0 =	slt.u32 s23, $0x3C;
	s13 =	sor.u32 s13, s24;
	v13 =	vmul.f32 v8, v5;
	v18 =	vld [tilespmem:s21+$0xC220]  }
.Ltmp2:
0xe2: {  	v7 =	vld [tilespmem:s13+$0x8230];
	v11 =	vmul.f32 v11, v6;
	v14 =	vadd.f32 v10, v17;
	[tilespmem:s7+$0x14220] =	vst v12;
	s7 =	smov.u32 s21;
	s21 =	smov.u32 s13;
	(pc) =	sbr.rel @p0 .LBB2_7-.Ltmp2, $4  }
0xe3: {  	v10 =	vld [tilespmem:s21+$0xC230];
	v17 =	vmul.f32 v9, v5  }
0xe4: {  	v8 =	vld [tilespmem:s21+$0x8200];
	v13 =	vadd.f32 v11, v13;
	v15 =	vmul.f32 v15, v6;
	[tilespmem:s7+$0x14230] =	vst v14  }
0xe5: {  	v11 =	vld [tilespmem:s21+$0xC200];
	v12 =	vmul.f32 v16, v5  }
0xe6: {  	s12 =	sadd.s32 $0x40, s12;
	v9 =	vld [tilespmem:s21+$0x8210];
	[tilespmem:s7+$0x14200] =	vst v13;
	v14 =	vadd.f32 v15, v17;
	v13 =	vmul.f32 v18, v6  }
0xe7: {  	v15 =	vld [tilespmem:s21+$0xC210]  }
0xe8: {  	v16 =	vld [tilespmem:s21+$0x8220];
	[tilespmem:s7+$0x14210] =	vst v14  }
0xe9: {  	v14 =	vld [tilespmem:s21+$0xC220];
	_ =	sdelay $0x1  }
0xea: {  	v7 =	vmul.f32 v7, v5;
	v10 =	vmul.f32 v10, v6  }
0xeb: {  	s6 =	sadd.s32 $0x1, s6;
	v12 =	vadd.f32 v13, v12;
	v8 =	vmul.f32 v8, v5;
	v11 =	vmul.f32 v11, v6  }
0xec: {  	p0 =	sne.s32 s6, $0x10;
	v7 =	vadd.f32 v10, v7;
	v9 =	vmul.f32 v9, v5;
	v63 =	vmul.f32 v15, v6  }
.Ltmp3:
0xed: {  	[tilespmem:s7+$0x14220] =	vst v12;
	v8 =	vadd.f32 v11, v8;
	v5 =	vmul.f32 v16, v5;
	v6 =	vmul.f32 v14, v6;
	(pc) =	sbr.rel @p0 .LBB2_6-.Ltmp3, $4  }
0xee: {  	[tilespmem:s21+$0x14230] =	vst v7;
	v7 =	vadd.f32 v63, v9  }
0xef: {  	[tilespmem:s21+$0x14200] =	vst v8;
	v5 =	vadd.f32 v6, v5  }
0xf0: {  	[tilespmem:s21+$0x14210] =	vst v7  }
0xf1: {  	[tilespmem:s21+$0x14220] =	vst v5  }
0xf2: {  	s5 =	simm.s32 $0x0;
	s6 =	rddreg [dreg:$0x7]  }
0xf3: {  	[hbm4b:s6+s5] =	stream.linear.scatter [tilespmem:s16], [sflag:$0x6], $0x4000, $0x38;
	[tilespmem:$0x18200] =	vst v63  }
0xf4: {  	v3 =	vld [tilespmem:$0x30];
	_ =	sdelay $0x4  }
0xf5: {  	v4 =	vshll.u32 v3, $0x3  }
0xf6: {  	v3 =	vand.u32 $0x7, v3;
	v4 =	vand.u32 $0xFFFFFFC0, v4  }
0xf7: {  	v3 =	vor.u32 v3, v4  }
0xf8: {  	v4 =	vperm.xlane v3, v0;
	_ =	sdelay $0x1  }
0xf9: {  	v4 =	vadd.s32 v1, v4;
	_ =	sdelay $0x3  }
0xfa: {  	s22 =	simm.s32 $0x8200  }
0xfb: {  	v5 =	vld [tilespmem:$0xB0];
	[tilespmem:s22], [sflag:$0x3] =	stream.indirect_vreg.gather [hbm4b:s3+s5], $0x80, v4, vm0, $0xb8  }
0xfc: {  	s23 =	simm.s32 $0x8A00;
	v3 =	vperm.xlane v3, v2  }
0xfd: {  	[tilespmem:s23], [sflag:$0x3] =	stream.indirect_vreg.gather [hbm4b:s8+s5], $0x80, v4, vm0, $0xb8;
	[tilespmem:$0x18200] =	vst v63  }
0xfe: {  	s24 =	simm.s32 $0x9200;
	v3 =	vadd.s32 v1, v3  }
0xff: {  	[tilespmem:s24], [sflag:$0x3] =	stream.indirect_vreg.gather [hbm4b:s10+s5], $0x80, v4, vm0, $0xb8;
	[tilespmem:$0x18200] =	vst v63  }
0x100: {  	s7 =	simm.s32 $0x9A00  }
0x101: {  	[tilespmem:s7], [sflag:$0x3] =	stream.indirect_vreg.gather [hbm4b:s11+s5], $0x80, v4, vm0, $0xb8;
	v4 =	vshll.u32 v5, $0x3;
	[tilespmem:$0x18200] =	vst v63  }
0x102: {  	s12 =	simm.s32 $0xA200;
	v5 =	vand.u32 $0x7, v5;
	v4 =	vand.u32 $0xFFFFFFC0, v4  }
0x103: {  	[tilespmem:s12], [sflag:$0x3] =	stream.indirect_vreg.gather [hbm4b:s3+s5], $0x80, v3, vm0, $0xb8;
	v4 =	vor.u32 v5, v4;
	[tilespmem:$0x18200] =	vst v63  }
0x104: {  	s13 =	simm.s32 $0xAA00;
	v5 =	vperm.xlane v4, v0  }
0x105: {  	[tilespmem:s13], [sflag:$0x3] =	stream.indirect_vreg.gather [hbm4b:s8+s5], $0x80, v3, vm0, $0xb8;
	[tilespmem:$0x18200] =	vst v63  }
0x106: {  	s20 =	simm.s32 $0xB200;
	v5 =	vadd.s32 v1, v5  }
0x107: {  	[tilespmem:s20], [sflag:$0x3] =	stream.indirect_vreg.gather [hbm4b:s10+s5], $0x80, v3, vm0, $0xb8;
	[tilespmem:$0x18200] =	vst v63  }
0x108: {  	s21 =	simm.s32 $0xBA00  }
0x109: {  	[tilespmem:s21], [sflag:$0x3] =	stream.indirect_vreg.gather [hbm4b:s11+s5], $0x80, v3, vm0, $0xb8;
	[tilespmem:$0x18200] =	vst v63  }
0x10a: {  	s22 =	simm.s32 $0xC200  }
0x10b: {  	[tilespmem:s22], [sflag:$0x4] =	stream.indirect_vreg.gather [hbm4b:s3+s5], $0x80, v5, vm0, $0xb8;
	[tilespmem:$0x18200] =	vst v63  }
0x10c: {  	s23 =	simm.s32 $0xCA00;
	v3 =	vperm.xlane v4, v2  }
0x10d: {  	[tilespmem:s23], [sflag:$0x4] =	stream.indirect_vreg.gather [hbm4b:s8+s5], $0x80, v5, vm0, $0xb8;
	[tilespmem:$0x18200] =	vst v63  }
0x10e: {  	s24 =	simm.s32 $0xD200;
	v3 =	vadd.s32 v1, v3  }
0x10f: {  	[tilespmem:s24], [sflag:$0x4] =	stream.indirect_vreg.gather [hbm4b:s10+s5], $0x80, v5, vm0, $0xb8;
	[tilespmem:$0x18200] =	vst v63  }
0x110: {  	_ = 	snop  }
0x111: {  	[tilespmem:s25], [sflag:$0x4] =	stream.indirect_vreg.gather [hbm4b:s11+s5], $0x80, v5, vm0, $0xb8;
	[tilespmem:$0x18200] =	vst v63  }
0x112: {  	_ = 	snop  }
0x113: {  	[tilespmem:s14], [sflag:$0x4] =	stream.indirect_vreg.gather [hbm4b:s3+s5], $0x80, v3, vm0, $0xb8;
	[tilespmem:$0x18200] =	vst v63  }
0x114: {  	_ = 	snop  }
0x115: {  	[tilespmem:s26], [sflag:$0x4] =	stream.indirect_vreg.gather [hbm4b:s8+s5], $0x80, v3, vm0, $0xb8;
	[tilespmem:$0x18200] =	vst v63  }
0x116: {  	_ = 	snop  }
0x117: {  	[tilespmem:s15], [sflag:$0x4] =	stream.indirect_vreg.gather [hbm4b:s10+s5], $0x80, v3, vm0, $0xb8;
	[tilespmem:$0x18200] =	vst v63  }
0x118: {  	_ = 	snop  }
0x119: {  	[tilespmem:s28], [sflag:$0x4] =	stream.indirect_vreg.gather [hbm4b:s11+s5], $0x80, v3, vm0, $0xb8;
	[tilespmem:$0x18200] =	vst v63  }
0x11a: {  	_ =	swait.ge [sflag:s29], $0x4000  }
0x11b: {  	[sflag:s29] =	ssyncset.done $0x0  }
0x11c: {  	[sflag:s29] =	ssyncadd.s32 $0xFFFFC000  }
0x11d: {  	_ =	swait.ge [sflag:s30], $0x4000  }
0x11e: {  	[sflag:s30] =	ssyncset.done $0x0  }
0x11f: {  	[sflag:s30] =	ssyncadd.s32 $0xFFFFC000  }
0x120: {  	_ =	swait.ge [sflag:s18], $0x4000  }
0x121: {  	[sflag:s18] =	ssyncset.done $0x0  }
0x122: {  	[sflag:s18] =	ssyncadd.s32 $0xFFFFC000  }
0x123: {  	v3 =	vld [tilespmem:$0x120]  }
0x124: {  	s6 =	simm.s32 $0x0;
	v4 =	vld [tilespmem:$0x1A0]  }
.LBB2_10:
0x125: {  	s7 =	sshll.u32 s6, $0xA;
	s12 =	sshll.u32 s6, $0x7  }
0x126: {  	s7 =	sand.u32 $0x2000, s7;
	s12 =	sand.u32 $0x380, s12  }
0x127: {  	s22 =	sand.u32 $0x40, s5;
	s20 =	sor.u32 s7, s12  }
0x128: {  	s23 =	sand.u32 $0x1C00, s5;
	s7 =	sor.u32 s22, s20  }
0x129: {  	s7 =	sor.u32 s23, s7  }
0x12a: {  	v5 =	vmov s6;
	v7 =	vld [tilespmem:s7+$0x230]  }
0x12b: {  	v5 =	vand.u32 $0xF, v5;
	v8 =	vld [tilespmem:s7+$0x4230]  }
0x12c: {  	v6 =	vbroadcast v5, $0x0;
	v9 =	vld [tilespmem:s7+$0x200]  }
0x12d: {  	v11 =	vld [tilespmem:s7+$0x4200]  }
0x12e: {  	s24 =	simm.s32 $0x40;
	v5 =	vperm.xlane v3, v6;
	v6 =	vperm.xlane v4, v6;
	v12 =	vld [tilespmem:s7+$0x210]  }
0x12f: {  	s12 =	sand.u32 $0x40, s24;
	s22 =	simm.s32 $0x200;
	v13 =	vld [tilespmem:s7+$0x4210]  }
0x130: {  	s12 =	sor.u32 s12, s20;
	s13 =	sand.u32 $0x1C00, s22;
	v14 =	vld [tilespmem:s7+$0x220];
	v10 =	vmul.f32 v7, v5;
	v8 =	vmul.f32 v8, v6  }
0x131: {  	s21 =	sor.u32 s13, s12;
	v15 =	vld [tilespmem:s7+$0x4220]  }
0x132: {  	v7 =	vld [tilespmem:s21+$0x230];
	v9 =	vmul.f32 v9, v5;
	v11 =	vmul.f32 v11, v6;
	v16 =	vadd.f32 v8, v10  }
0x133: {  	v10 =	vld [tilespmem:s21+$0x4230]  }
0x134: {  	v63 =	vmul.f32 v12, v5;
	v13 =	vmul.f32 v13, v6;
	v8 =	vld [tilespmem:s21+$0x200];
	v17 =	vadd.f32 v11, v9;
	[tilespmem:s7+$0x10230] =	vst v16  }
0x135: {  	v11 =	vld [tilespmem:s21+$0x4200]  }
0x136: {  	s23 =	simm.s32 $0x4;
	s12 =	simm.s32 $0x80;
	v12 =	vmul.f32 v14, v5;
	v14 =	vadd.f32 v13, v63;
	v13 =	vmul.f32 v15, v6;
	v9 =	vld [tilespmem:s21+$0x210];
	[tilespmem:s7+$0x10200] =	vst v17  }
.LBB2_11:
0x137: {  	s13 =	sand.u32 $0x40, s12;
	v15 =	vld [tilespmem:s21+$0x4210];
	s22 =	sadd.s32 $0x200, s22  }
0x138: {  	s23 =	sadd.s32 $0x4, s23;
	v17 =	vmul.f32 v7, v5;
	s24 =	sand.u32 $0x1C00, s22;
	s13 =	sor.u32 s13, s20;
	v16 =	vld [tilespmem:s21+$0x220];
	v10 =	vmul.f32 v10, v6;
	[tilespmem:s7+$0x10210] =	vst v14;
	v12 =	vadd.f32 v13, v12  }
0x139: {  	p0 =	slt.u32 s23, $0x3C;
	s13 =	sor.u32 s24, s13;
	v13 =	vmul.f32 v8, v5;
	v18 =	vld [tilespmem:s21+$0x4220]  }
.Ltmp4:
0x13a: {  	v7 =	vld [tilespmem:s13+$0x230];
	v11 =	vmul.f32 v11, v6;
	v14 =	vadd.f32 v10, v17;
	[tilespmem:s7+$0x10220] =	vst v12;
	s7 =	smov.u32 s21;
	s21 =	smov.u32 s13;
	(pc) =	sbr.rel @p0 .LBB2_11-.Ltmp4, $4  }
0x13b: {  	v10 =	vld [tilespmem:s21+$0x4230];
	v17 =	vmul.f32 v9, v5  }
0x13c: {  	v8 =	vld [tilespmem:s21+$0x200];
	v13 =	vadd.f32 v11, v13;
	v15 =	vmul.f32 v15, v6;
	[tilespmem:s7+$0x10230] =	vst v14  }
0x13d: {  	v11 =	vld [tilespmem:s21+$0x4200];
	v12 =	vmul.f32 v16, v5  }
0x13e: {  	s12 =	sadd.s32 $0x40, s12;
	v9 =	vld [tilespmem:s21+$0x210];
	[tilespmem:s7+$0x10200] =	vst v13;
	v14 =	vadd.f32 v15, v17;
	v13 =	vmul.f32 v18, v6  }
0x13f: {  	v15 =	vld [tilespmem:s21+$0x4210]  }
0x140: {  	v16 =	vld [tilespmem:s21+$0x220];
	[tilespmem:s7+$0x10210] =	vst v14  }
0x141: {  	v14 =	vld [tilespmem:s21+$0x4220];
	_ =	sdelay $0x1  }
0x142: {  	v7 =	vmul.f32 v7, v5;
	v10 =	vmul.f32 v10, v6  }
0x143: {  	s6 =	sadd.s32 $0x1, s6;
	v12 =	vadd.f32 v13, v12;
	v8 =	vmul.f32 v8, v5;
	v11 =	vmul.f32 v11, v6  }
0x144: {  	p0 =	sne.s32 s6, $0x10;
	v7 =	vadd.f32 v10, v7;
	v9 =	vmul.f32 v9, v5;
	v63 =	vmul.f32 v15, v6  }
.Ltmp5:
0x145: {  	[tilespmem:s7+$0x10220] =	vst v12;
	v8 =	vadd.f32 v11, v8;
	v5 =	vmul.f32 v16, v5;
	v6 =	vmul.f32 v14, v6;
	(pc) =	sbr.rel @p0 .LBB2_10-.Ltmp5, $4  }
0x146: {  	[tilespmem:s21+$0x10230] =	vst v7;
	v7 =	vadd.f32 v63, v9  }
0x147: {  	[tilespmem:s21+$0x10200] =	vst v8;
	v5 =	vadd.f32 v6, v5  }
0x148: {  	[tilespmem:s21+$0x10210] =	vst v7  }
0x149: {  	[tilespmem:s21+$0x10220] =	vst v5  }
0x14a: {  	s5 =	simm.s32 $0x0;
	s6 =	rddreg [dreg:$0x8]  }
0x14b: {  	[hbm4b:s6+s5] =	stream.linear.scatter [tilespmem:s31], [sflag:$0x5], $0x4000, $0x38;
	[tilespmem:$0x18200] =	vst v63  }
0x14c: {  	_ =	swait.ge [sflag:s0], $0x4000  }
0x14d: {  	[sflag:s0] =	ssyncset.done $0x0  }
0x14e: {  	[sflag:s0] =	ssyncadd.s32 $0xFFFFC000  }
0x14f: {  	_ =	swait.ge [sflag:s1], $0x4000  }
0x150: {  	[sflag:s1] =	ssyncset.done $0x0  }
0x151: {  	[sflag:s1] =	ssyncadd.s32 $0xFFFFC000  }
0x152: {  	_ =	swait.ge [sflag:s19], $0x4000  }
0x153: {  	[sflag:s19] =	ssyncset.done $0x0  }
0x154: {  	[sflag:s19] =	ssyncadd.s32 $0xFFFFC000  }
0x155: {  	v3 =	vld [tilespmem:$0x130]  }
0x156: {  	s6 =	simm.s32 $0x0;
	v4 =	vld [tilespmem:$0x1B0]  }
.LBB2_14:
0x157: {  	s7 =	sshll.u32 s6, $0xA;
	s12 =	sshll.u32 s6, $0x7  }
0x158: {  	s7 =	sand.u32 $0x2000, s7;
	s12 =	sand.u32 $0x380, s12  }
0x159: {  	s22 =	sand.u32 $0x40, s5;
	s20 =	sor.u32 s7, s12  }
0x15a: {  	s23 =	sand.u32 $0x1C00, s5;
	s7 =	sor.u32 s22, s20  }
0x15b: {  	s7 =	sor.u32 s23, s7  }
0x15c: {  	v5 =	vmov s6;
	v7 =	vld [tilespmem:s7+$0x8230]  }
0x15d: {  	v5 =	vand.u32 $0xF, v5;
	v8 =	vld [tilespmem:s7+$0xC230]  }
0x15e: {  	v6 =	vbroadcast v5, $0x0;
	v9 =	vld [tilespmem:s7+$0x8200]  }
0x15f: {  	v11 =	vld [tilespmem:s7+$0xC200]  }
0x160: {  	s24 =	simm.s32 $0x40;
	v5 =	vperm.xlane v3, v6;
	v6 =	vperm.xlane v4, v6;
	v12 =	vld [tilespmem:s7+$0x8210]  }
0x161: {  	s12 =	sand.u32 $0x40, s24;
	s22 =	simm.s32 $0x200;
	v13 =	vld [tilespmem:s7+$0xC210]  }
0x162: {  	s12 =	sor.u32 s12, s20;
	s13 =	sand.u32 $0x1C00, s22;
	v14 =	vld [tilespmem:s7+$0x8220];
	v10 =	vmul.f32 v7, v5;
	v8 =	vmul.f32 v8, v6  }
0x163: {  	s21 =	sor.u32 s13, s12;
	v15 =	vld [tilespmem:s7+$0xC220]  }
0x164: {  	v7 =	vld [tilespmem:s21+$0x8230];
	v9 =	vmul.f32 v9, v5;
	v11 =	vmul.f32 v11, v6;
	v16 =	vadd.f32 v8, v10  }
0x165: {  	v10 =	vld [tilespmem:s21+$0xC230]  }
0x166: {  	v63 =	vmul.f32 v12, v5;
	v13 =	vmul.f32 v13, v6;
	v8 =	vld [tilespmem:s21+$0x8200];
	v17 =	vadd.f32 v11, v9;
	[tilespmem:s7+$0x14230] =	vst v16  }
0x167: {  	v11 =	vld [tilespmem:s21+$0xC200]  }
0x168: {  	s23 =	simm.s32 $0x4;
	s12 =	simm.s32 $0x80;
	v12 =	vmul.f32 v14, v5;
	v14 =	vadd.f32 v13, v63;
	v13 =	vmul.f32 v15, v6;
	v9 =	vld [tilespmem:s21+$0x8210];
	[tilespmem:s7+$0x14200] =	vst v17  }
.LBB2_15:
0x169: {  	s13 =	sand.u32 $0x40, s12;
	v15 =	vld [tilespmem:s21+$0xC210];
	s22 =	sadd.s32 $0x200, s22  }
0x16a: {  	s23 =	sadd.s32 $0x4, s23;
	v17 =	vmul.f32 v7, v5;
	s24 =	sand.u32 $0x1C00, s22;
	s13 =	sor.u32 s13, s20;
	v16 =	vld [tilespmem:s21+$0x8220];
	v10 =	vmul.f32 v10, v6;
	[tilespmem:s7+$0x14210] =	vst v14;
	v12 =	vadd.f32 v13, v12  }
0x16b: {  	p0 =	slt.u32 s23, $0x3C;
	s13 =	sor.u32 s24, s13;
	v13 =	vmul.f32 v8, v5;
	v18 =	vld [tilespmem:s21+$0xC220]  }
.Ltmp6:
0x16c: {  	v7 =	vld [tilespmem:s13+$0x8230];
	v11 =	vmul.f32 v11, v6;
	v14 =	vadd.f32 v10, v17;
	[tilespmem:s7+$0x14220] =	vst v12;
	s7 =	smov.u32 s21;
	s21 =	smov.u32 s13;
	(pc) =	sbr.rel @p0 .LBB2_15-.Ltmp6, $4  }
0x16d: {  	v10 =	vld [tilespmem:s21+$0xC230];
	v17 =	vmul.f32 v9, v5  }
0x16e: {  	v8 =	vld [tilespmem:s21+$0x8200];
	v13 =	vadd.f32 v11, v13;
	v15 =	vmul.f32 v15, v6;
	[tilespmem:s7+$0x14230] =	vst v14  }
0x16f: {  	v11 =	vld [tilespmem:s21+$0xC200];
	v12 =	vmul.f32 v16, v5  }
0x170: {  	s12 =	sadd.s32 $0x40, s12;
	v9 =	vld [tilespmem:s21+$0x8210];
	[tilespmem:s7+$0x14200] =	vst v13;
	v14 =	vadd.f32 v15, v17;
	v13 =	vmul.f32 v18, v6  }
0x171: {  	v15 =	vld [tilespmem:s21+$0xC210]  }
0x172: {  	v16 =	vld [tilespmem:s21+$0x8220];
	[tilespmem:s7+$0x14210] =	vst v14  }
0x173: {  	v14 =	vld [tilespmem:s21+$0xC220];
	_ =	sdelay $0x1  }
0x174: {  	v7 =	vmul.f32 v7, v5;
	v10 =	vmul.f32 v10, v6  }
0x175: {  	s6 =	sadd.s32 $0x1, s6;
	v12 =	vadd.f32 v13, v12;
	v8 =	vmul.f32 v8, v5;
	v11 =	vmul.f32 v11, v6  }
0x176: {  	p0 =	sne.s32 s6, $0x10;
	v7 =	vadd.f32 v10, v7;
	v9 =	vmul.f32 v9, v5;
	v63 =	vmul.f32 v15, v6  }
.Ltmp7:
0x177: {  	[tilespmem:s7+$0x14220] =	vst v12;
	v8 =	vadd.f32 v11, v8;
	v5 =	vmul.f32 v16, v5;
	v6 =	vmul.f32 v14, v6;
	(pc) =	sbr.rel @p0 .LBB2_14-.Ltmp7, $4  }
0x178: {  	[tilespmem:s21+$0x14230] =	vst v7;
	v7 =	vadd.f32 v63, v9  }
0x179: {  	[tilespmem:s21+$0x14200] =	vst v8;
	v5 =	vadd.f32 v6, v5  }
0x17a: {  	[tilespmem:s21+$0x14210] =	vst v7  }
0x17b: {  	[tilespmem:s21+$0x14220] =	vst v5  }
0x17c: {  	s5 =	rddreg [dreg:$0x9]  }
0x17d: {  	[hbm4b:s5+s2] =	stream.linear.scatter [tilespmem:s16], [sflag:$0x6], $0x4000, $0x38;
	[tilespmem:$0x18200] =	vst v63  }
0x17e: {  	_ =	swait.ge [sflag:s18], $0x4000  }
0x17f: {  	[sflag:s18] =	ssyncset.done $0x0  }
0x180: {  	[sflag:s18] =	ssyncadd.s32 $0xFFFFC000  }
0x181: {  	_ =	swait.ge [sflag:s19], $0x4000  }
0x182: {  	s4 =	sadd.s32 $0x1, s4;
	s24 =	rddreg [dreg:$0xa]  }
0x183: {  	p0 =	sne.s32 s4, s24  }
.Ltmp8:
0x184: {  	_ = 	snop;
	(pc) =	sbr.rel @p0 .LBB2_1-.Ltmp8, $3  }
0x185: {  	_ =	sdelay $0x1  }
0x186: {  	[sflag:s19] =	ssyncset.done $0x0  }
0x187: {  	s13 =	simm.s32 $0x200;
	[sflag:s19] =	ssyncadd.s32 $0xFFFFC000  }
0x188: {  	_ =	sfence.sel $0x180000  }
0x189: {  	[bflag:$0x0] =	sbarrier.arrive $0xFFFF  }
0x18a: {  	_ =	strace $0x9000004A  }
0x18b: {  	s0 =	stileid.u32;
	[bflag:$0x2] =	sbarrier.arrive $0xFFFF  }
0x18c: {  	p0 =	sne.s32 s0, $0x0;
	s0 =	rddreg [dreg:$0x2]  }
0x18d: {  	s0 =	sadd.s32 @!p0 $0x100000, s0  }
0x18e: {  	[sflag:s0] =	ssyncadd.tile.s32 @!p0 $0x1;
	_ =	shalt  }
.Lfunc_end2:
_tile_overlayer_lowered:
.L_overlay_start_2:
0x18f: {  	(tag) =	ssettag $0x2  }
0x190: {  	s0 =	rddreg [dreg:$0x0];
	s2 =	stileid.u32  }
0x191: {  	s1 =	rddreg [dreg:$0x1];
	p0 =	sne.s32 s2, $0x0  }
0x192: {  	s3 =	rddreg [dreg:$0x2];
	[bflag:$0x3] =	sbarrier.arrive $0xFFFF;
	s2 =	simm.s32 @!p0 $0x1C07  }
0x193: {  	[timem:s3], [sflag:s2] =	dma.local @!p0 [hbm:s0], s1  }
0x194: {  	s0 =	simm.s32 @!p0 $0x7  }
0x195: {  	_ =	swait.ge @!p0 [sflag:s0], s1  }
0x196: {  	s1 =	ssub.s32 @!p0 $0x0, s1;
	[sflag:s0] =	ssyncset.done @!p0 $0x0  }
0x197: {  	[sflag:s0] =	ssyncadd.s32 @!p0 s1  }
0x198: {  	[bflag:$0x3] =	sbarrier.arrive $0xFFFF  }
0x199: {  	_ =	shalt  }

</sc_bundles>
